<compile_context>
chip_gen: v7x
topology: tpu7x:2x2x1
jax: 0.10.2.dev20260603
libtpu: 0.0.44.dev20260713+nightly
codegen_flags: <defaults>
</compile_context>

<pallas_src>
import functools

import jax
import jax.numpy as jnp
from jax import lax
from jax.experimental import pallas as pl
from jax.experimental.pallas import tpu as pltpu
from jax.experimental.pallas import tpu_sc as plsc

_N = 1024
_TD = 64
_NB = 22
_MAXD = 40.0
_ROWS = 32

_NC = 2
_NS = 16
_NW = _NC * _NS
_RPW = _N // _NW


def _bins_body(a_ref, cT_ref, e_ref, out_ref):
    a = a_ref[...]
    cT = cT_ref[...]
    e = e_ref[...]

    dx = a[:, 0:1] - cT[0:1, :]
    dy = a[:, 1:2] - cT[1:2, :]
    dz = a[:, 2:3] - cT[2:3, :]
    dist = jnp.sqrt(dx * dx + dy * dy + dz * dz + 1e-8)

    acc = jnp.zeros_like(dist, dtype=jnp.int32)
    for k in range(_NB - 1):
        acc = acc + (dist > e[k, 0]).astype(jnp.int32)
    out_ref[...] = acc


def _sc_expand_body(bins_hbm, table_hbm, out_hbm, idx_v, rows_v, sem):
    wid = lax.axis_index("s") * _NC + lax.axis_index("c")
    base = wid * _RPW

    def row_step(r, carry):
        i = base + r
        pltpu.sync_copy(bins_hbm.at[i], idx_v)
        cps = [
            pltpu.async_copy(
                table_hbm.at[idx_v.at[c]],
                rows_v.at[pl.ds(c * 128, 128)],
                sem,
            )
            for c in range(8)
        ]
        for cp in cps:
            cp.wait()
        pltpu.sync_copy(rows_v, out_hbm.at[i])
        return carry

    lax.fori_loop(0, _RPW, row_step, 0)


_sc_expand = functools.partial(
    pl.kernel,
    mesh=plsc.VectorSubcoreMesh(core_axis_name="c", subcore_axis_name="s"),
    out_type=jax.ShapeDtypeStruct((_N, _N, _TD), jnp.float32),
    compiler_params=pltpu.CompilerParams(use_tc_tiling_on_sc=False),
    scratch_types=[
        pltpu.VMEM((8, 128), jnp.int32),
        pltpu.VMEM((_N, _TD), jnp.float32),
        pltpu.SemaphoreType.DMA,
    ],
)(_sc_expand_body)


def kernel(coords, W, b):
    bin_width = _MAXD / (_NB - 1)
    edges = jnp.arange(0.0, _MAXD + bin_width, bin_width, dtype=jnp.float32)[:_NB]
    ecol = edges[: _NB - 1].reshape(_NB - 1, 1)
    cT = coords.T

    bins = pl.pallas_call(
        _bins_body,
        grid=(_N // _ROWS,),
        in_specs=[
            pl.BlockSpec((_ROWS, 3), lambda i: (i, 0)),
            pl.BlockSpec((3, _N), lambda i: (0, 0)),
            pl.BlockSpec((_NB - 1, 1), lambda i: (0, 0)),
        ],
        out_specs=pl.BlockSpec((_ROWS, _N), lambda i: (i, 0)),
        out_shape=jax.ShapeDtypeStruct((_N, _N), jnp.int32),
    )(coords, cT, ecol)

    bins3 = bins.reshape(_N, 8, 128)
    table = W.T + b[None, :]
    return _sc_expand(bins3, table)

# --- scband reference (transcript-rebuilt; emitter-appended) ---
"""Pipeline reference for scband-template-encoder-89928025244551 (READ-ONLY COPY).

The authoritative reference and input builder live on the scoring server;
editing this copy changes nothing except your own understanding.
"""

import jax, jax.numpy as jnp
import numpy as np

N = 1024
TEMPLATE_DIM = 64
NUM_BINS = 22
MAX_DIST = 40.0


def setup_inputs(seed: int = 0) -> dict:
    key = jax.random.key(seed)
    k1, k2 = jax.random.split(key, 2)
    coords = jax.random.normal(k1, (N, 3), dtype=jnp.float32)
    # Learned params: nn.Linear(num_bins, template_dim)
    W = jax.random.normal(k2, (TEMPLATE_DIM, NUM_BINS), dtype=jnp.float32) * 0.01
    b = jnp.zeros((TEMPLATE_DIM,), dtype=jnp.float32)
    return {"coords": coords, "W": W, "b": b}


def reference(coords, W, b):
    confidence = 1.0
    # bin edges buffer: arange(0, max_dist + bin_width, bin_width)[:num_bins]
    bin_width = MAX_DIST / (NUM_BINS - 1)
    edges = jnp.arange(0.0, MAX_DIST + bin_width, bin_width, dtype=jnp.float32)[:NUM_BINS]
    # pairwise distances: diff = coords[None] - coords[:, None]
    diff = coords[None, :, :] - coords[:, None, :]
    dist = jnp.sqrt((diff ** 2).sum(axis=-1) + 1e-08)
    # torch.bucketize(dist, edges) with right=False == searchsorted side='left'
    bin_idx = jnp.searchsorted(edges, dist, side='left')
    bin_idx = jnp.clip(bin_idx, 0, NUM_BINS - 1)
    # one-hot scatter: bins.scatter_(2, bin_idx.unsqueeze(-1), 1.0)
    bins = jax.nn.one_hot(bin_idx, NUM_BINS, dtype=jnp.float32)
    # projection: Linear(num_bins, template_dim)
    features = bins @ W.T + b
    features = features * confidence
    return features

if __name__ == "__main__":
    import jax
    _d = setup_inputs()
    print(jax.jit(kernel)(*tuple(_d.values())))

</pallas_src>

<mosaic_0001>
#map = affine_map<(d0, d1) -> (0, 0, 0)>
#map1 = affine_map<(d0, d1) -> (0, 0)>
module attributes {stable_mosaic.version = 14 : i64} {
  func.func @_sc_expand_body(%arg0: i32, %arg1: i32, %arg2: memref<1024x8x128xi32, #tpu.memory_space<hbm>>, %arg3: memref<22x64xf32, #tpu.memory_space<hbm>>, %arg4: memref<1024x1024x64xf32, #tpu.memory_space<hbm>>, %arg5: memref<8x128xi32, #tpu.memory_space<vmem>>, %arg6: memref<1024x64xf32, #tpu.memory_space<vmem>>, %arg7: memref<!tpu.dma_semaphore, #tpu.memory_space<semaphore_mem>>) attributes {dimension_semantics = [#tpu.dimension_semantics<core_parallel>, #tpu.dimension_semantics<subcore_parallel>], iteration_bounds = array<i64: 2, 16>, scalar_prefetch = 0 : i64, scratch_operands = 3 : i64, tpu.core_type = #tpu.core_type<sc_vector_subcore>, window_params = [{transform_indices = #map}, {transform_indices = #map1}, {transform_indices = #map}]} {
    %mul3A = arith.constant 2 : i32
    %mul3A_0 = arith.muli %arg1, %mul3A : i32
    %add3A = arith.addi %mul3A_0, %arg0 : i32
    %mul3A_1 = arith.constant 32 : i32
    %mul3A_2 = arith.muli %add3A, %mul3A_1 : i32
    %scan3A = arith.constant 0 : i32
    %scan3A_3 = arith.constant 0 : i32
    %scan3A_4 = arith.constant 32 : i32
    %scan3A_5 = arith.addi %scan3A_3, %scan3A_4 : i32
    %scan3A_6 = arith.constant 1 : i32
    scf.for %scan3A_8 = %scan3A_3 to %scan3A_5 step %scan3A_6  : i32 {
      %add3A_9 = arith.addi %mul3A_2, %scan3A_8 : i32
      "tpu.region"() ({
        %run_scoped3A = tpu.sem_alloc : memref<!tpu.dma_semaphore, #tpu.memory_space<semaphore_mem>>
        %dma_start3A_168 = arith.constant 0 : i32
        %dma_start3A_169 = arith.constant 0 : i32
        %dma_start3A_170 = tpu.memref_slice %arg2[%add3A_9, %dma_start3A_168, %dma_start3A_169] : memref<1024x8x128xi32, #tpu.memory_space<hbm>> -> memref<1x8x128xi32, #tpu.memory_space<hbm>>
        %dma_start3A_171 = tpu.memref_squeeze %dma_start3A_170 : memref<1x8x128xi32, #tpu.memory_space<hbm>> -> memref<8x128xi32, #tpu.memory_space<hbm>>
        %dma_start3A_172 = arith.constant 0 : i32
        %dma_start3A_173 = arith.constant 0 : i32
        %dma_start3A_174 = tpu.memref_slice %arg2[%add3A_9, %dma_start3A_172, %dma_start3A_173] : memref<1024x8x128xi32, #tpu.memory_space<hbm>> -> memref<1x8x128xi32, #tpu.memory_space<hbm>>
        %dma_start3A_175 = tpu.memref_squeeze %dma_start3A_174 : memref<1x8x128xi32, #tpu.memory_space<hbm>> -> memref<8x128xi32, #tpu.memory_space<hbm>>
        tpu.enqueue_dma source(%dma_start3A_175 : memref<8x128xi32, #tpu.memory_space<hbm>>) target(%arg5 : memref<8x128xi32, #tpu.memory_space<vmem>>) target_semaphore(%run_scoped3A : memref<!tpu.dma_semaphore, #tpu.memory_space<semaphore_mem>>)
        %dma_wait3A_176 = arith.constant 0 : i32
        %dma_wait3A_177 = arith.constant 0 : i32
        %dma_wait3A_178 = tpu.memref_slice %arg2[%add3A_9, %dma_wait3A_176, %dma_wait3A_177] : memref<1024x8x128xi32, #tpu.memory_space<hbm>> -> memref<1x8x128xi32, #tpu.memory_space<hbm>>
        %dma_wait3A_179 = tpu.memref_squeeze %dma_wait3A_178 : memref<1x8x128xi32, #tpu.memory_space<hbm>> -> memref<8x128xi32, #tpu.memory_space<hbm>>
        %dma_wait3A_180 = arith.constant 0 : i32
        %dma_wait3A_181 = arith.constant 0 : i32
        %dma_wait3A_182 = tpu.memref_slice %arg2[%add3A_9, %dma_wait3A_180, %dma_wait3A_181] : memref<1024x8x128xi32, #tpu.memory_space<hbm>> -> memref<1x8x128xi32, #tpu.memory_space<hbm>>
        %dma_wait3A_183 = tpu.memref_squeeze %dma_wait3A_182 : memref<1x8x128xi32, #tpu.memory_space<hbm>> -> memref<8x128xi32, #tpu.memory_space<hbm>>
        tpu.wait_dma2 semaphore(%run_scoped3A : memref<!tpu.dma_semaphore, #tpu.memory_space<semaphore_mem>>) src(%dma_wait3A_183 : memref<8x128xi32, #tpu.memory_space<hbm>>) dst(%arg5 : memref<8x128xi32, #tpu.memory_space<vmem>>)
        tpu.yield
      }) : () -> ()
      %dma_start3A = arith.constant 0 : i32
      %dma_start3A_10 = arith.constant 0 : i32
      %dma_start3A_11 = arith.constant 0 : i32
      %dma_start3A_12 = tpu.memref_slice %arg6[%dma_start3A_10, %dma_start3A_11] : memref<1024x64xf32, #tpu.memory_space<vmem>> -> memref<128x64xf32, #tpu.memory_space<vmem>>
      %dma_start3A_13 = arith.constant 0 : i32
      %dma_start3A_14 = tpu.memref_slice %arg5[%dma_start3A, %dma_start3A_13] : memref<8x128xi32, #tpu.memory_space<vmem>> -> memref<1x128xi32, #tpu.memory_space<vmem>>
      %dma_start3A_15 = tpu.memref_squeeze %dma_start3A_14 : memref<1x128xi32, #tpu.memory_space<vmem>> -> memref<128xi32, #tpu.memory_space<vmem>>
      %dma_start3A_16 = arith.constant 0 : i32
      %dma_start3A_17 = arith.constant 0 : i32
      %dma_start3A_18 = tpu.memref_slice %arg3[%dma_start3A_16, %dma_start3A_17] : memref<22x64xf32, #tpu.memory_space<hbm>> -> memref<22x64xf32, #tpu.memory_space<hbm>>
      tpu.enqueue_indirect_dma source(%dma_start3A_18 : memref<22x64xf32, #tpu.memory_space<hbm>>) target(%dma_start3A_12 : memref<128x64xf32, #tpu.memory_space<vmem>>) offsets(%dma_start3A_15 : memref<128xi32, #tpu.memory_space<vmem>>) semaphore(%arg7 : memref<!tpu.dma_semaphore, #tpu.memory_space<semaphore_mem>>)
      %dma_start3A_19 = arith.constant 1 : i32
      %dma_start3A_20 = arith.constant 128 : i32
      %dma_start3A_21 = arith.constant 0 : i32
      %dma_start3A_22 = tpu.memref_slice %arg6[%dma_start3A_20, %dma_start3A_21] : memref<1024x64xf32, #tpu.memory_space<vmem>> -> memref<128x64xf32, #tpu.memory_space<vmem>>
      %dma_start3A_23 = arith.constant 0 : i32
      %dma_start3A_24 = tpu.memref_slice %arg5[%dma_start3A_19, %dma_start3A_23] : memref<8x128xi32, #tpu.memory_space<vmem>> -> memref<1x128xi32, #tpu.memory_space<vmem>>
      %dma_start3A_25 = tpu.memref_squeeze %dma_start3A_24 : memref<1x128xi32, #tpu.memory_space<vmem>> -> memref<128xi32, #tpu.memory_space<vmem>>
      %dma_start3A_26 = arith.constant 0 : i32
      %dma_start3A_27 = arith.constant 0 : i32
      %dma_start3A_28 = tpu.memref_slice %arg3[%dma_start3A_26, %dma_start3A_27] : memref<22x64xf32, #tpu.memory_space<hbm>> -> memref<22x64xf32, #tpu.memory_space<hbm>>
      tpu.enqueue_indirect_dma source(%dma_start3A_28 : memref<22x64xf32, #tpu.memory_space<hbm>>) target(%dma_start3A_22 : memref<128x64xf32, #tpu.memory_space<vmem>>) offsets(%dma_start3A_25 : memref<128xi32, #tpu.memory_space<vmem>>) semaphore(%arg7 : memref<!tpu.dma_semaphore, #tpu.memory_space<semaphore_mem>>)
      %dma_start3A_29 = arith.constant 2 : i32
      %dma_start3A_30 = arith.constant 256 : i32
      %dma_start3A_31 = arith.constant 0 : i32
      %dma_start3A_32 = tpu.memref_slice %arg6[%dma_start3A_30, %dma_start3A_31] : memref<1024x64xf32, #tpu.memory_space<vmem>> -> memref<128x64xf32, #tpu.memory_space<vmem>>
      %dma_start3A_33 = arith.constant 0 : i32
      %dma_start3A_34 = tpu.memref_slice %arg5[%dma_start3A_29, %dma_start3A_33] : memref<8x128xi32, #tpu.memory_space<vmem>> -> memref<1x128xi32, #tpu.memory_space<vmem>>
      %dma_start3A_35 = tpu.memref_squeeze %dma_start3A_34 : memref<1x128xi32, #tpu.memory_space<vmem>> -> memref<128xi32, #tpu.memory_space<vmem>>
      %dma_start3A_36 = arith.constant 0 : i32
      %dma_start3A_37 = arith.constant 0 : i32
      %dma_start3A_38 = tpu.memref_slice %arg3[%dma_start3A_36, %dma_start3A_37] : memref<22x64xf32, #tpu.memory_space<hbm>> -> memref<22x64xf32, #tpu.memory_space<hbm>>
      tpu.enqueue_indirect_dma source(%dma_start3A_38 : memref<22x64xf32, #tpu.memory_space<hbm>>) target(%dma_start3A_32 : memref<128x64xf32, #tpu.memory_space<vmem>>) offsets(%dma_start3A_35 : memref<128xi32, #tpu.memory_space<vmem>>) semaphore(%arg7 : memref<!tpu.dma_semaphore, #tpu.memory_space<semaphore_mem>>)
      %dma_start3A_39 = arith.constant 3 : i32
      %dma_start3A_40 = arith.constant 384 : i32
      %dma_start3A_41 = arith.constant 0 : i32
      %dma_start3A_42 = tpu.memref_slice %arg6[%dma_start3A_40, %dma_start3A_41] : memref<1024x64xf32, #tpu.memory_space<vmem>> -> memref<128x64xf32, #tpu.memory_space<vmem>>
      %dma_start3A_43 = arith.constant 0 : i32
      %dma_start3A_44 = tpu.memref_slice %arg5[%dma_start3A_39, %dma_start3A_43] : memref<8x128xi32, #tpu.memory_space<vmem>> -> memref<1x128xi32, #tpu.memory_space<vmem>>
      %dma_start3A_45 = tpu.memref_squeeze %dma_start3A_44 : memref<1x128xi32, #tpu.memory_space<vmem>> -> memref<128xi32, #tpu.memory_space<vmem>>
      %dma_start3A_46 = arith.constant 0 : i32
      %dma_start3A_47 = arith.constant 0 : i32
      %dma_start3A_48 = tpu.memref_slice %arg3[%dma_start3A_46, %dma_start3A_47] : memref<22x64xf32, #tpu.memory_space<hbm>> -> memref<22x64xf32, #tpu.memory_space<hbm>>
      tpu.enqueue_indirect_dma source(%dma_start3A_48 : memref<22x64xf32, #tpu.memory_space<hbm>>) target(%dma_start3A_42 : memref<128x64xf32, #tpu.memory_space<vmem>>) offsets(%dma_start3A_45 : memref<128xi32, #tpu.memory_space<vmem>>) semaphore(%arg7 : memref<!tpu.dma_semaphore, #tpu.memory_space<semaphore_mem>>)
      %dma_start3A_49 = arith.constant 4 : i32
      %dma_start3A_50 = arith.constant 512 : i32
      %dma_start3A_51 = arith.constant 0 : i32
      %dma_start3A_52 = tpu.memref_slice %arg6[%dma_start3A_50, %dma_start3A_51] : memref<1024x64xf32, #tpu.memory_space<vmem>> -> memref<128x64xf32, #tpu.memory_space<vmem>>
      %dma_start3A_53 = arith.constant 0 : i32
      %dma_start3A_54 = tpu.memref_slice %arg5[%dma_start3A_49, %dma_start3A_53] : memref<8x128xi32, #tpu.memory_space<vmem>> -> memref<1x128xi32, #tpu.memory_space<vmem>>
      %dma_start3A_55 = tpu.memref_squeeze %dma_start3A_54 : memref<1x128xi32, #tpu.memory_space<vmem>> -> memref<128xi32, #tpu.memory_space<vmem>>
      %dma_start3A_56 = arith.constant 0 : i32
      %dma_start3A_57 = arith.constant 0 : i32
      %dma_start3A_58 = tpu.memref_slice %arg3[%dma_start3A_56, %dma_start3A_57] : memref<22x64xf32, #tpu.memory_space<hbm>> -> memref<22x64xf32, #tpu.memory_space<hbm>>
      tpu.enqueue_indirect_dma source(%dma_start3A_58 : memref<22x64xf32, #tpu.memory_space<hbm>>) target(%dma_start3A_52 : memref<128x64xf32, #tpu.memory_space<vmem>>) offsets(%dma_start3A_55 : memref<128xi32, #tpu.memory_space<vmem>>) semaphore(%arg7 : memref<!tpu.dma_semaphore, #tpu.memory_space<semaphore_mem>>)
      %dma_start3A_59 = arith.constant 5 : i32
      %dma_start3A_60 = arith.constant 640 : i32
      %dma_start3A_61 = arith.constant 0 : i32
      %dma_start3A_62 = tpu.memref_slice %arg6[%dma_start3A_60, %dma_start3A_61] : memref<1024x64xf32, #tpu.memory_space<vmem>> -> memref<128x64xf32, #tpu.memory_space<vmem>>
      %dma_start3A_63 = arith.constant 0 : i32
      %dma_start3A_64 = tpu.memref_slice %arg5[%dma_start3A_59, %dma_start3A_63] : memref<8x128xi32, #tpu.memory_space<vmem>> -> memref<1x128xi32, #tpu.memory_space<vmem>>
      %dma_start3A_65 = tpu.memref_squeeze %dma_start3A_64 : memref<1x128xi32, #tpu.memory_space<vmem>> -> memref<128xi32, #tpu.memory_space<vmem>>
      %dma_start3A_66 = arith.constant 0 : i32
      %dma_start3A_67 = arith.constant 0 : i32
      %dma_start3A_68 = tpu.memref_slice %arg3[%dma_start3A_66, %dma_start3A_67] : memref<22x64xf32, #tpu.memory_space<hbm>> -> memref<22x64xf32, #tpu.memory_space<hbm>>
      tpu.enqueue_indirect_dma source(%dma_start3A_68 : memref<22x64xf32, #tpu.memory_space<hbm>>) target(%dma_start3A_62 : memref<128x64xf32, #tpu.memory_space<vmem>>) offsets(%dma_start3A_65 : memref<128xi32, #tpu.memory_space<vmem>>) semaphore(%arg7 : memref<!tpu.dma_semaphore, #tpu.memory_space<semaphore_mem>>)
      %dma_start3A_69 = arith.constant 6 : i32
      %dma_start3A_70 = arith.constant 768 : i32
      %dma_start3A_71 = arith.constant 0 : i32
      %dma_start3A_72 = tpu.memref_slice %arg6[%dma_start3A_70, %dma_start3A_71] : memref<1024x64xf32, #tpu.memory_space<vmem>> -> memref<128x64xf32, #tpu.memory_space<vmem>>
      %dma_start3A_73 = arith.constant 0 : i32
      %dma_start3A_74 = tpu.memref_slice %arg5[%dma_start3A_69, %dma_start3A_73] : memref<8x128xi32, #tpu.memory_space<vmem>> -> memref<1x128xi32, #tpu.memory_space<vmem>>
      %dma_start3A_75 = tpu.memref_squeeze %dma_start3A_74 : memref<1x128xi32, #tpu.memory_space<vmem>> -> memref<128xi32, #tpu.memory_space<vmem>>
      %dma_start3A_76 = arith.constant 0 : i32
      %dma_start3A_77 = arith.constant 0 : i32
      %dma_start3A_78 = tpu.memref_slice %arg3[%dma_start3A_76, %dma_start3A_77] : memref<22x64xf32, #tpu.memory_space<hbm>> -> memref<22x64xf32, #tpu.memory_space<hbm>>
      tpu.enqueue_indirect_dma source(%dma_start3A_78 : memref<22x64xf32, #tpu.memory_space<hbm>>) target(%dma_start3A_72 : memref<128x64xf32, #tpu.memory_space<vmem>>) offsets(%dma_start3A_75 : memref<128xi32, #tpu.memory_space<vmem>>) semaphore(%arg7 : memref<!tpu.dma_semaphore, #tpu.memory_space<semaphore_mem>>)
      %dma_start3A_79 = arith.constant 7 : i32
      %dma_start3A_80 = arith.constant 896 : i32
      %dma_start3A_81 = arith.constant 0 : i32
      %dma_start3A_82 = tpu.memref_slice %arg6[%dma_start3A_80, %dma_start3A_81] : memref<1024x64xf32, #tpu.memory_space<vmem>> -> memref<128x64xf32, #tpu.memory_space<vmem>>
      %dma_start3A_83 = arith.constant 0 : i32
      %dma_start3A_84 = tpu.memref_slice %arg5[%dma_start3A_79, %dma_start3A_83] : memref<8x128xi32, #tpu.memory_space<vmem>> -> memref<1x128xi32, #tpu.memory_space<vmem>>
      %dma_start3A_85 = tpu.memref_squeeze %dma_start3A_84 : memref<1x128xi32, #tpu.memory_space<vmem>> -> memref<128xi32, #tpu.memory_space<vmem>>
      %dma_start3A_86 = arith.constant 0 : i32
      %dma_start3A_87 = arith.constant 0 : i32
      %dma_start3A_88 = tpu.memref_slice %arg3[%dma_start3A_86, %dma_start3A_87] : memref<22x64xf32, #tpu.memory_space<hbm>> -> memref<22x64xf32, #tpu.memory_space<hbm>>
      tpu.enqueue_indirect_dma source(%dma_start3A_88 : memref<22x64xf32, #tpu.memory_space<hbm>>) target(%dma_start3A_82 : memref<128x64xf32, #tpu.memory_space<vmem>>) offsets(%dma_start3A_85 : memref<128xi32, #tpu.memory_space<vmem>>) semaphore(%arg7 : memref<!tpu.dma_semaphore, #tpu.memory_space<semaphore_mem>>)
      %dma_wait3A = arith.constant 0 : i32
      %dma_wait3A_89 = arith.constant 0 : i32
      %dma_wait3A_90 = arith.constant 0 : i32
      %dma_wait3A_91 = tpu.memref_slice %arg6[%dma_wait3A_89, %dma_wait3A_90] : memref<1024x64xf32, #tpu.memory_space<vmem>> -> memref<128x64xf32, #tpu.memory_space<vmem>>
      %dma_wait3A_92 = arith.constant 0 : i32
      %dma_wait3A_93 = tpu.memref_slice %arg5[%dma_wait3A, %dma_wait3A_92] : memref<8x128xi32, #tpu.memory_space<vmem>> -> memref<1x128xi32, #tpu.memory_space<vmem>>
      %dma_wait3A_94 = tpu.memref_squeeze %dma_wait3A_93 : memref<1x128xi32, #tpu.memory_space<vmem>> -> memref<128xi32, #tpu.memory_space<vmem>>
      %dma_wait3A_95 = arith.constant 0 : i32
      %dma_wait3A_96 = arith.constant 0 : i32
      %dma_wait3A_97 = tpu.memref_slice %arg3[%dma_wait3A_95, %dma_wait3A_96] : memref<22x64xf32, #tpu.memory_space<hbm>> -> memref<22x64xf32, #tpu.memory_space<hbm>>
      tpu.wait_indirect_dma semaphore(%arg7 : memref<!tpu.dma_semaphore, #tpu.memory_space<semaphore_mem>>) src(%dma_wait3A_97 : memref<22x64xf32, #tpu.memory_space<hbm>>) dst(%dma_wait3A_91 : memref<128x64xf32, #tpu.memory_space<vmem>>)
      %dma_wait3A_98 = arith.constant 1 : i32
      %dma_wait3A_99 = arith.constant 128 : i32
      %dma_wait3A_100 = arith.constant 0 : i32
      %dma_wait3A_101 = tpu.memref_slice %arg6[%dma_wait3A_99, %dma_wait3A_100] : memref<1024x64xf32, #tpu.memory_space<vmem>> -> memref<128x64xf32, #tpu.memory_space<vmem>>
      %dma_wait3A_102 = arith.constant 0 : i32
      %dma_wait3A_103 = tpu.memref_slice %arg5[%dma_wait3A_98, %dma_wait3A_102] : memref<8x128xi32, #tpu.memory_space<vmem>> -> memref<1x128xi32, #tpu.memory_space<vmem>>
      %dma_wait3A_104 = tpu.memref_squeeze %dma_wait3A_103 : memref<1x128xi32, #tpu.memory_space<vmem>> -> memref<128xi32, #tpu.memory_space<vmem>>
      %dma_wait3A_105 = arith.constant 0 : i32
      %dma_wait3A_106 = arith.constant 0 : i32
      %dma_wait3A_107 = tpu.memref_slice %arg3[%dma_wait3A_105, %dma_wait3A_106] : memref<22x64xf32, #tpu.memory_space<hbm>> -> memref<22x64xf32, #tpu.memory_space<hbm>>
      tpu.wait_indirect_dma semaphore(%arg7 : memref<!tpu.dma_semaphore, #tpu.memory_space<semaphore_mem>>) src(%dma_wait3A_107 : memref<22x64xf32, #tpu.memory_space<hbm>>) dst(%dma_wait3A_101 : memref<128x64xf32, #tpu.memory_space<vmem>>)
      %dma_wait3A_108 = arith.constant 2 : i32
      %dma_wait3A_109 = arith.constant 256 : i32
      %dma_wait3A_110 = arith.constant 0 : i32
      %dma_wait3A_111 = tpu.memref_slice %arg6[%dma_wait3A_109, %dma_wait3A_110] : memref<1024x64xf32, #tpu.memory_space<vmem>> -> memref<128x64xf32, #tpu.memory_space<vmem>>
      %dma_wait3A_112 = arith.constant 0 : i32
      %dma_wait3A_113 = tpu.memref_slice %arg5[%dma_wait3A_108, %dma_wait3A_112] : memref<8x128xi32, #tpu.memory_space<vmem>> -> memref<1x128xi32, #tpu.memory_space<vmem>>
      %dma_wait3A_114 = tpu.memref_squeeze %dma_wait3A_113 : memref<1x128xi32, #tpu.memory_space<vmem>> -> memref<128xi32, #tpu.memory_space<vmem>>
      %dma_wait3A_115 = arith.constant 0 : i32
      %dma_wait3A_116 = arith.constant 0 : i32
      %dma_wait3A_117 = tpu.memref_slice %arg3[%dma_wait3A_115, %dma_wait3A_116] : memref<22x64xf32, #tpu.memory_space<hbm>> -> memref<22x64xf32, #tpu.memory_space<hbm>>
      tpu.wait_indirect_dma semaphore(%arg7 : memref<!tpu.dma_semaphore, #tpu.memory_space<semaphore_mem>>) src(%dma_wait3A_117 : memref<22x64xf32, #tpu.memory_space<hbm>>) dst(%dma_wait3A_111 : memref<128x64xf32, #tpu.memory_space<vmem>>)
      %dma_wait3A_118 = arith.constant 3 : i32
      %dma_wait3A_119 = arith.constant 384 : i32
      %dma_wait3A_120 = arith.constant 0 : i32
      %dma_wait3A_121 = tpu.memref_slice %arg6[%dma_wait3A_119, %dma_wait3A_120] : memref<1024x64xf32, #tpu.memory_space<vmem>> -> memref<128x64xf32, #tpu.memory_space<vmem>>
      %dma_wait3A_122 = arith.constant 0 : i32
      %dma_wait3A_123 = tpu.memref_slice %arg5[%dma_wait3A_118, %dma_wait3A_122] : memref<8x128xi32, #tpu.memory_space<vmem>> -> memref<1x128xi32, #tpu.memory_space<vmem>>
      %dma_wait3A_124 = tpu.memref_squeeze %dma_wait3A_123 : memref<1x128xi32, #tpu.memory_space<vmem>> -> memref<128xi32, #tpu.memory_space<vmem>>
      %dma_wait3A_125 = arith.constant 0 : i32
      %dma_wait3A_126 = arith.constant 0 : i32
      %dma_wait3A_127 = tpu.memref_slice %arg3[%dma_wait3A_125, %dma_wait3A_126] : memref<22x64xf32, #tpu.memory_space<hbm>> -> memref<22x64xf32, #tpu.memory_space<hbm>>
      tpu.wait_indirect_dma semaphore(%arg7 : memref<!tpu.dma_semaphore, #tpu.memory_space<semaphore_mem>>) src(%dma_wait3A_127 : memref<22x64xf32, #tpu.memory_space<hbm>>) dst(%dma_wait3A_121 : memref<128x64xf32, #tpu.memory_space<vmem>>)
      %dma_wait3A_128 = arith.constant 4 : i32
      %dma_wait3A_129 = arith.constant 512 : i32
      %dma_wait3A_130 = arith.constant 0 : i32
      %dma_wait3A_131 = tpu.memref_slice %arg6[%dma_wait3A_129, %dma_wait3A_130] : memref<1024x64xf32, #tpu.memory_space<vmem>> -> memref<128x64xf32, #tpu.memory_space<vmem>>
      %dma_wait3A_132 = arith.constant 0 : i32
      %dma_wait3A_133 = tpu.memref_slice %arg5[%dma_wait3A_128, %dma_wait3A_132] : memref<8x128xi32, #tpu.memory_space<vmem>> -> memref<1x128xi32, #tpu.memory_space<vmem>>
      %dma_wait3A_134 = tpu.memref_squeeze %dma_wait3A_133 : memref<1x128xi32, #tpu.memory_space<vmem>> -> memref<128xi32, #tpu.memory_space<vmem>>
      %dma_wait3A_135 = arith.constant 0 : i32
      %dma_wait3A_136 = arith.constant 0 : i32
      %dma_wait3A_137 = tpu.memref_slice %arg3[%dma_wait3A_135, %dma_wait3A_136] : memref<22x64xf32, #tpu.memory_space<hbm>> -> memref<22x64xf32, #tpu.memory_space<hbm>>
      tpu.wait_indirect_dma semaphore(%arg7 : memref<!tpu.dma_semaphore, #tpu.memory_space<semaphore_mem>>) src(%dma_wait3A_137 : memref<22x64xf32, #tpu.memory_space<hbm>>) dst(%dma_wait3A_131 : memref<128x64xf32, #tpu.memory_space<vmem>>)
      %dma_wait3A_138 = arith.constant 5 : i32
      %dma_wait3A_139 = arith.constant 640 : i32
      %dma_wait3A_140 = arith.constant 0 : i32
      %dma_wait3A_141 = tpu.memref_slice %arg6[%dma_wait3A_139, %dma_wait3A_140] : memref<1024x64xf32, #tpu.memory_space<vmem>> -> memref<128x64xf32, #tpu.memory_space<vmem>>
      %dma_wait3A_142 = arith.constant 0 : i32
      %dma_wait3A_143 = tpu.memref_slice %arg5[%dma_wait3A_138, %dma_wait3A_142] : memref<8x128xi32, #tpu.memory_space<vmem>> -> memref<1x128xi32, #tpu.memory_space<vmem>>
      %dma_wait3A_144 = tpu.memref_squeeze %dma_wait3A_143 : memref<1x128xi32, #tpu.memory_space<vmem>> -> memref<128xi32, #tpu.memory_space<vmem>>
      %dma_wait3A_145 = arith.constant 0 : i32
      %dma_wait3A_146 = arith.constant 0 : i32
      %dma_wait3A_147 = tpu.memref_slice %arg3[%dma_wait3A_145, %dma_wait3A_146] : memref<22x64xf32, #tpu.memory_space<hbm>> -> memref<22x64xf32, #tpu.memory_space<hbm>>
      tpu.wait_indirect_dma semaphore(%arg7 : memref<!tpu.dma_semaphore, #tpu.memory_space<semaphore_mem>>) src(%dma_wait3A_147 : memref<22x64xf32, #tpu.memory_space<hbm>>) dst(%dma_wait3A_141 : memref<128x64xf32, #tpu.memory_space<vmem>>)
      %dma_wait3A_148 = arith.constant 6 : i32
      %dma_wait3A_149 = arith.constant 768 : i32
      %dma_wait3A_150 = arith.constant 0 : i32
      %dma_wait3A_151 = tpu.memref_slice %arg6[%dma_wait3A_149, %dma_wait3A_150] : memref<1024x64xf32, #tpu.memory_space<vmem>> -> memref<128x64xf32, #tpu.memory_space<vmem>>
      %dma_wait3A_152 = arith.constant 0 : i32
      %dma_wait3A_153 = tpu.memref_slice %arg5[%dma_wait3A_148, %dma_wait3A_152] : memref<8x128xi32, #tpu.memory_space<vmem>> -> memref<1x128xi32, #tpu.memory_space<vmem>>
      %dma_wait3A_154 = tpu.memref_squeeze %dma_wait3A_153 : memref<1x128xi32, #tpu.memory_space<vmem>> -> memref<128xi32, #tpu.memory_space<vmem>>
      %dma_wait3A_155 = arith.constant 0 : i32
      %dma_wait3A_156 = arith.constant 0 : i32
      %dma_wait3A_157 = tpu.memref_slice %arg3[%dma_wait3A_155, %dma_wait3A_156] : memref<22x64xf32, #tpu.memory_space<hbm>> -> memref<22x64xf32, #tpu.memory_space<hbm>>
      tpu.wait_indirect_dma semaphore(%arg7 : memref<!tpu.dma_semaphore, #tpu.memory_space<semaphore_mem>>) src(%dma_wait3A_157 : memref<22x64xf32, #tpu.memory_space<hbm>>) dst(%dma_wait3A_151 : memref<128x64xf32, #tpu.memory_space<vmem>>)
      %dma_wait3A_158 = arith.constant 7 : i32
      %dma_wait3A_159 = arith.constant 896 : i32
      %dma_wait3A_160 = arith.constant 0 : i32
      %dma_wait3A_161 = tpu.memref_slice %arg6[%dma_wait3A_159, %dma_wait3A_160] : memref<1024x64xf32, #tpu.memory_space<vmem>> -> memref<128x64xf32, #tpu.memory_space<vmem>>
      %dma_wait3A_162 = arith.constant 0 : i32
      %dma_wait3A_163 = tpu.memref_slice %arg5[%dma_wait3A_158, %dma_wait3A_162] : memref<8x128xi32, #tpu.memory_space<vmem>> -> memref<1x128xi32, #tpu.memory_space<vmem>>
      %dma_wait3A_164 = tpu.memref_squeeze %dma_wait3A_163 : memref<1x128xi32, #tpu.memory_space<vmem>> -> memref<128xi32, #tpu.memory_space<vmem>>
      %dma_wait3A_165 = arith.constant 0 : i32
      %dma_wait3A_166 = arith.constant 0 : i32
      %dma_wait3A_167 = tpu.memref_slice %arg3[%dma_wait3A_165, %dma_wait3A_166] : memref<22x64xf32, #tpu.memory_space<hbm>> -> memref<22x64xf32, #tpu.memory_space<hbm>>
      tpu.wait_indirect_dma semaphore(%arg7 : memref<!tpu.dma_semaphore, #tpu.memory_space<semaphore_mem>>) src(%dma_wait3A_167 : memref<22x64xf32, #tpu.memory_space<hbm>>) dst(%dma_wait3A_161 : memref<128x64xf32, #tpu.memory_space<vmem>>)
      "tpu.region"() ({
        %run_scoped3A = tpu.sem_alloc : memref<!tpu.dma_semaphore, #tpu.memory_space<semaphore_mem>>
        %dma_start3A_168 = arith.constant 0 : i32
        %dma_start3A_169 = arith.constant 0 : i32
        %dma_start3A_170 = tpu.memref_slice %arg4[%add3A_9, %dma_start3A_168, %dma_start3A_169] : memref<1024x1024x64xf32, #tpu.memory_space<hbm>> -> memref<1x1024x64xf32, #tpu.memory_space<hbm>>
        %dma_start3A_171 = tpu.memref_squeeze %dma_start3A_170 : memref<1x1024x64xf32, #tpu.memory_space<hbm>> -> memref<1024x64xf32, #tpu.memory_space<hbm>>
        %dma_start3A_172 = arith.constant 0 : i32
        %dma_start3A_173 = arith.constant 0 : i32
        %dma_start3A_174 = tpu.memref_slice %arg4[%add3A_9, %dma_start3A_172, %dma_start3A_173] : memref<1024x1024x64xf32, #tpu.memory_space<hbm>> -> memref<1x1024x64xf32, #tpu.memory_space<hbm>>
        %dma_start3A_175 = tpu.memref_squeeze %dma_start3A_174 : memref<1x1024x64xf32, #tpu.memory_space<hbm>> -> memref<1024x64xf32, #tpu.memory_space<hbm>>
        tpu.enqueue_dma source(%arg6 : memref<1024x64xf32, #tpu.memory_space<vmem>>) target(%dma_start3A_175 : memref<1024x64xf32, #tpu.memory_space<hbm>>) target_semaphore(%run_scoped3A : memref<!tpu.dma_semaphore, #tpu.memory_space<semaphore_mem>>)
        %dma_wait3A_176 = arith.constant 0 : i32
        %dma_wait3A_177 = arith.constant 0 : i32
        %dma_wait3A_178 = tpu.memref_slice %arg4[%add3A_9, %dma_wait3A_176, %dma_wait3A_177] : memref<1024x1024x64xf32, #tpu.memory_space<hbm>> -> memref<1x1024x64xf32, #tpu.memory_space<hbm>>
        %dma_wait3A_179 = tpu.memref_squeeze %dma_wait3A_178 : memref<1x1024x64xf32, #tpu.memory_space<hbm>> -> memref<1024x64xf32, #tpu.memory_space<hbm>>
        %dma_wait3A_180 = arith.constant 0 : i32
        %dma_wait3A_181 = arith.constant 0 : i32
        %dma_wait3A_182 = tpu.memref_slice %arg4[%add3A_9, %dma_wait3A_180, %dma_wait3A_181] : memref<1024x1024x64xf32, #tpu.memory_space<hbm>> -> memref<1x1024x64xf32, #tpu.memory_space<hbm>>
        %dma_wait3A_183 = tpu.memref_squeeze %dma_wait3A_182 : memref<1x1024x64xf32, #tpu.memory_space<hbm>> -> memref<1024x64xf32, #tpu.memory_space<hbm>>
        tpu.wait_dma2 semaphore(%run_scoped3A : memref<!tpu.dma_semaphore, #tpu.memory_space<semaphore_mem>>) src(%arg6 : memref<1024x64xf32, #tpu.memory_space<vmem>>) dst(%dma_wait3A_183 : memref<1024x64xf32, #tpu.memory_space<hbm>>)
        tpu.yield
      }) : () -> ()
    }
    %scan3A_7 = arith.constant 32 : i32
    return
  }
}

module attributes {stable_mosaic.version = 14 : i64} {
  func.func @_bins_body(%arg0: i32, %arg1: memref<32x3xf32, #tpu.memory_space<vmem>>, %arg2: memref<3x1024xf32, #tpu.memory_space<vmem>>, %arg3: memref<21x1xf32, #tpu.memory_space<vmem>>, %arg4: memref<32x1024xi32, #tpu.memory_space<vmem>>) attributes {dimension_semantics = [#tpu.dimension_semantics<arbitrary>], iteration_bounds = array<i64: 32>, scalar_prefetch = 0 : i64, scratch_operands = 0 : i64, tpu.core_type = #tpu.core_type<tc>, window_params = [{transform_indices = @transform_0, window_bounds = array<i64: 32, 3>}, {pipeline_mode = #tpu.pipeline_mode<synchronous>, transform_indices = @transform_1, window_bounds = array<i64: 3, 1024>}, {pipeline_mode = #tpu.pipeline_mode<synchronous>, transform_indices = @transform_2, window_bounds = array<i64: 21, 1>}, {transform_indices = @transform_3, window_bounds = array<i64: 32, 1024>}]} {
    %get3A = arith.constant 0 : index
    %get3A_0 = arith.constant 0 : index
    %get3A_1 = vector.load %arg1[%get3A, %get3A_0] : memref<32x3xf32, #tpu.memory_space<vmem>>, vector<32x3xf32>
    %get3A_2 = arith.constant 0 : index
    %get3A_3 = arith.constant 0 : index
    %get3A_4 = vector.load %arg2[%get3A_2, %get3A_3] : memref<3x1024xf32, #tpu.memory_space<vmem>>, vector<3x1024xf32>
    %get3A_5 = arith.constant 0 : index
    %get3A_6 = arith.constant 0 : index
    %get3A_7 = vector.load %arg3[%get3A_5, %get3A_6] : memref<21x1xf32, #tpu.memory_space<vmem>>, vector<21x1xf32>
    %slice3A = vector.extract_strided_slice %get3A_1 {offsets = [0, 0], sizes = [32, 1], strides = [1, 1]} : vector<32x3xf32> to vector<32x1xf32>
    %slice3A_8 = vector.extract_strided_slice %get3A_4 {offsets = [0, 0], sizes = [1, 1024], strides = [1, 1]} : vector<3x1024xf32> to vector<1x1024xf32>
    %sub3A = vector.broadcast %slice3A : vector<32x1xf32> to vector<32x1024xf32>
    %sub3A_9 = vector.broadcast %slice3A_8 : vector<1x1024xf32> to vector<32x1024xf32>
    %sub3A_10 = arith.subf %sub3A, %sub3A_9 : vector<32x1024xf32>
    %slice3A_11 = vector.extract_strided_slice %get3A_1 {offsets = [0, 1], sizes = [32, 1], strides = [1, 1]} : vector<32x3xf32> to vector<32x1xf32>
    %slice3A_12 = vector.extract_strided_slice %get3A_4 {offsets = [1, 0], sizes = [1, 1024], strides = [1, 1]} : vector<3x1024xf32> to vector<1x1024xf32>
    %sub3A_13 = vector.broadcast %slice3A_11 : vector<32x1xf32> to vector<32x1024xf32>
    %sub3A_14 = vector.broadcast %slice3A_12 : vector<1x1024xf32> to vector<32x1024xf32>
    %sub3A_15 = arith.subf %sub3A_13, %sub3A_14 : vector<32x1024xf32>
    %slice3A_16 = vector.extract_strided_slice %get3A_1 {offsets = [0, 2], sizes = [32, 1], strides = [1, 1]} : vector<32x3xf32> to vector<32x1xf32>
    %slice3A_17 = vector.extract_strided_slice %get3A_4 {offsets = [2, 0], sizes = [1, 1024], strides = [1, 1]} : vector<3x1024xf32> to vector<1x1024xf32>
    %sub3A_18 = vector.broadcast %slice3A_16 : vector<32x1xf32> to vector<32x1024xf32>
    %sub3A_19 = vector.broadcast %slice3A_17 : vector<1x1024xf32> to vector<32x1024xf32>
    %sub3A_20 = arith.subf %sub3A_18, %sub3A_19 : vector<32x1024xf32>
    %mul3A = arith.mulf %sub3A_10, %sub3A_10 : vector<32x1024xf32>
    %mul3A_21 = arith.mulf %sub3A_15, %sub3A_15 : vector<32x1024xf32>
    %add3A = arith.addf %mul3A, %mul3A_21 : vector<32x1024xf32>
    %mul3A_22 = arith.mulf %sub3A_20, %sub3A_20 : vector<32x1024xf32>
    %add3A_23 = arith.addf %add3A, %mul3A_22 : vector<32x1024xf32>
    %add3A_24 = arith.constant 9.99999993E-9 : f32
    %add3A_25 = vector.broadcast %add3A_24 : f32 to vector<32x1024xf32>
    %add3A_26 = arith.addf %add3A_23, %add3A_25 : vector<32x1024xf32>
    %sqrt3A = math.sqrt %add3A_26 : vector<32x1024xf32>
    %broadcast_in_dim3A = arith.constant 0 : i32
    %broadcast_in_dim3A_27 = vector.broadcast %broadcast_in_dim3A : i32 to vector<32x1024xi32>
    %slice3A_28 = vector.extract_strided_slice %get3A_7 {offsets = [0, 0], sizes = [1, 1], strides = [1, 1]} : vector<21x1xf32> to vector<1x1xf32>
    %squeeze3A = vector.extract %slice3A_28[0, 0] : f32 from vector<1x1xf32>
    %gt3A = vector.broadcast %squeeze3A : f32 to vector<32x1024xf32>
    %gt3A_29 = arith.cmpf ogt, %sqrt3A, %gt3A : vector<32x1024xf32>
    %convert_element_type3A = arith.extui %gt3A_29 : vector<32x1024xi1> to vector<32x1024xi32>
    %add3A_30 = arith.addi %broadcast_in_dim3A_27, %convert_element_type3A : vector<32x1024xi32>
    %slice3A_31 = vector.extract_strided_slice %get3A_7 {offsets = [1, 0], sizes = [1, 1], strides = [1, 1]} : vector<21x1xf32> to vector<1x1xf32>
    %squeeze3A_32 = vector.extract %slice3A_31[0, 0] : f32 from vector<1x1xf32>
    %gt3A_33 = vector.broadcast %squeeze3A_32 : f32 to vector<32x1024xf32>
    %gt3A_34 = arith.cmpf ogt, %sqrt3A, %gt3A_33 : vector<32x1024xf32>
    %convert_element_type3A_35 = arith.extui %gt3A_34 : vector<32x1024xi1> to vector<32x1024xi32>
    %add3A_36 = arith.addi %add3A_30, %convert_element_type3A_35 : vector<32x1024xi32>
    %slice3A_37 = vector.extract_strided_slice %get3A_7 {offsets = [2, 0], sizes = [1, 1], strides = [1, 1]} : vector<21x1xf32> to vector<1x1xf32>
    %squeeze3A_38 = vector.extract %slice3A_37[0, 0] : f32 from vector<1x1xf32>
    %gt3A_39 = vector.broadcast %squeeze3A_38 : f32 to vector<32x1024xf32>
    %gt3A_40 = arith.cmpf ogt, %sqrt3A, %gt3A_39 : vector<32x1024xf32>
    %convert_element_type3A_41 = arith.extui %gt3A_40 : vector<32x1024xi1> to vector<32x1024xi32>
    %add3A_42 = arith.addi %add3A_36, %convert_element_type3A_41 : vector<32x1024xi32>
    %slice3A_43 = vector.extract_strided_slice %get3A_7 {offsets = [3, 0], sizes = [1, 1], strides = [1, 1]} : vector<21x1xf32> to vector<1x1xf32>
    %squeeze3A_44 = vector.extract %slice3A_43[0, 0] : f32 from vector<1x1xf32>
    %gt3A_45 = vector.broadcast %squeeze3A_44 : f32 to vector<32x1024xf32>
    %gt3A_46 = arith.cmpf ogt, %sqrt3A, %gt3A_45 : vector<32x1024xf32>
    %convert_element_type3A_47 = arith.extui %gt3A_46 : vector<32x1024xi1> to vector<32x1024xi32>
    %add3A_48 = arith.addi %add3A_42, %convert_element_type3A_47 : vector<32x1024xi32>
    %slice3A_49 = vector.extract_strided_slice %get3A_7 {offsets = [4, 0], sizes = [1, 1], strides = [1, 1]} : vector<21x1xf32> to vector<1x1xf32>
    %squeeze3A_50 = vector.extract %slice3A_49[0, 0] : f32 from vector<1x1xf32>
    %gt3A_51 = vector.broadcast %squeeze3A_50 : f32 to vector<32x1024xf32>
    %gt3A_52 = arith.cmpf ogt, %sqrt3A, %gt3A_51 : vector<32x1024xf32>
    %convert_element_type3A_53 = arith.extui %gt3A_52 : vector<32x1024xi1> to vector<32x1024xi32>
    %add3A_54 = arith.addi %add3A_48, %convert_element_type3A_53 : vector<32x1024xi32>
    %slice3A_55 = vector.extract_strided_slice %get3A_7 {offsets = [5, 0], sizes = [1, 1], strides = [1, 1]} : vector<21x1xf32> to vector<1x1xf32>
    %squeeze3A_56 = vector.extract %slice3A_55[0, 0] : f32 from vector<1x1xf32>
    %gt3A_57 = vector.broadcast %squeeze3A_56 : f32 to vector<32x1024xf32>
    %gt3A_58 = arith.cmpf ogt, %sqrt3A, %gt3A_57 : vector<32x1024xf32>
    %convert_element_type3A_59 = arith.extui %gt3A_58 : vector<32x1024xi1> to vector<32x1024xi32>
    %add3A_60 = arith.addi %add3A_54, %convert_element_type3A_59 : vector<32x1024xi32>
    %slice3A_61 = vector.extract_strided_slice %get3A_7 {offsets = [6, 0], sizes = [1, 1], strides = [1, 1]} : vector<21x1xf32> to vector<1x1xf32>
    %squeeze3A_62 = vector.extract %slice3A_61[0, 0] : f32 from vector<1x1xf32>
    %gt3A_63 = vector.broadcast %squeeze3A_62 : f32 to vector<32x1024xf32>
    %gt3A_64 = arith.cmpf ogt, %sqrt3A, %gt3A_63 : vector<32x1024xf32>
    %convert_element_type3A_65 = arith.extui %gt3A_64 : vector<32x1024xi1> to vector<32x1024xi32>
    %add3A_66 = arith.addi %add3A_60, %convert_element_type3A_65 : vector<32x1024xi32>
    %slice3A_67 = vector.extract_strided_slice %get3A_7 {offsets = [7, 0], sizes = [1, 1], strides = [1, 1]} : vector<21x1xf32> to vector<1x1xf32>
    %squeeze3A_68 = vector.extract %slice3A_67[0, 0] : f32 from vector<1x1xf32>
    %gt3A_69 = vector.broadcast %squeeze3A_68 : f32 to vector<32x1024xf32>
    %gt3A_70 = arith.cmpf ogt, %sqrt3A, %gt3A_69 : vector<32x1024xf32>
    %convert_element_type3A_71 = arith.extui %gt3A_70 : vector<32x1024xi1> to vector<32x1024xi32>
    %add3A_72 = arith.addi %add3A_66, %convert_element_type3A_71 : vector<32x1024xi32>
    %slice3A_73 = vector.extract_strided_slice %get3A_7 {offsets = [8, 0], sizes = [1, 1], strides = [1, 1]} : vector<21x1xf32> to vector<1x1xf32>
    %squeeze3A_74 = vector.extract %slice3A_73[0, 0] : f32 from vector<1x1xf32>
    %gt3A_75 = vector.broadcast %squeeze3A_74 : f32 to vector<32x1024xf32>
    %gt3A_76 = arith.cmpf ogt, %sqrt3A, %gt3A_75 : vector<32x1024xf32>
    %convert_element_type3A_77 = arith.extui %gt3A_76 : vector<32x1024xi1> to vector<32x1024xi32>
    %add3A_78 = arith.addi %add3A_72, %convert_element_type3A_77 : vector<32x1024xi32>
    %slice3A_79 = vector.extract_strided_slice %get3A_7 {offsets = [9, 0], sizes = [1, 1], strides = [1, 1]} : vector<21x1xf32> to vector<1x1xf32>
    %squeeze3A_80 = vector.extract %slice3A_79[0, 0] : f32 from vector<1x1xf32>
    %gt3A_81 = vector.broadcast %squeeze3A_80 : f32 to vector<32x1024xf32>
    %gt3A_82 = arith.cmpf ogt, %sqrt3A, %gt3A_81 : vector<32x1024xf32>
    %convert_element_type3A_83 = arith.extui %gt3A_82 : vector<32x1024xi1> to vector<32x1024xi32>
    %add3A_84 = arith.addi %add3A_78, %convert_element_type3A_83 : vector<32x1024xi32>
    %slice3A_85 = vector.extract_strided_slice %get3A_7 {offsets = [10, 0], sizes = [1, 1], strides = [1, 1]} : vector<21x1xf32> to vector<1x1xf32>
    %squeeze3A_86 = vector.extract %slice3A_85[0, 0] : f32 from vector<1x1xf32>
    %gt3A_87 = vector.broadcast %squeeze3A_86 : f32 to vector<32x1024xf32>
    %gt3A_88 = arith.cmpf ogt, %sqrt3A, %gt3A_87 : vector<32x1024xf32>
    %convert_element_type3A_89 = arith.extui %gt3A_88 : vector<32x1024xi1> to vector<32x1024xi32>
    %add3A_90 = arith.addi %add3A_84, %convert_element_type3A_89 : vector<32x1024xi32>
    %slice3A_91 = vector.extract_strided_slice %get3A_7 {offsets = [11, 0], sizes = [1, 1], strides = [1, 1]} : vector<21x1xf32> to vector<1x1xf32>
    %squeeze3A_92 = vector.extract %slice3A_91[0, 0] : f32 from vector<1x1xf32>
    %gt3A_93 = vector.broadcast %squeeze3A_92 : f32 to vector<32x1024xf32>
    %gt3A_94 = arith.cmpf ogt, %sqrt3A, %gt3A_93 : vector<32x1024xf32>
    %convert_element_type3A_95 = arith.extui %gt3A_94 : vector<32x1024xi1> to vector<32x1024xi32>
    %add3A_96 = arith.addi %add3A_90, %convert_element_type3A_95 : vector<32x1024xi32>
    %slice3A_97 = vector.extract_strided_slice %get3A_7 {offsets = [12, 0], sizes = [1, 1], strides = [1, 1]} : vector<21x1xf32> to vector<1x1xf32>
    %squeeze3A_98 = vector.extract %slice3A_97[0, 0] : f32 from vector<1x1xf32>
    %gt3A_99 = vector.broadcast %squeeze3A_98 : f32 to vector<32x1024xf32>
    %gt3A_100 = arith.cmpf ogt, %sqrt3A, %gt3A_99 : vector<32x1024xf32>
    %convert_element_type3A_101 = arith.extui %gt3A_100 : vector<32x1024xi1> to vector<32x1024xi32>
    %add3A_102 = arith.addi %add3A_96, %convert_element_type3A_101 : vector<32x1024xi32>
    %slice3A_103 = vector.extract_strided_slice %get3A_7 {offsets = [13, 0], sizes = [1, 1], strides = [1, 1]} : vector<21x1xf32> to vector<1x1xf32>
    %squeeze3A_104 = vector.extract %slice3A_103[0, 0] : f32 from vector<1x1xf32>
    %gt3A_105 = vector.broadcast %squeeze3A_104 : f32 to vector<32x1024xf32>
    %gt3A_106 = arith.cmpf ogt, %sqrt3A, %gt3A_105 : vector<32x1024xf32>
    %convert_element_type3A_107 = arith.extui %gt3A_106 : vector<32x1024xi1> to vector<32x1024xi32>
    %add3A_108 = arith.addi %add3A_102, %convert_element_type3A_107 : vector<32x1024xi32>
    %slice3A_109 = vector.extract_strided_slice %get3A_7 {offsets = [14, 0], sizes = [1, 1], strides = [1, 1]} : vector<21x1xf32> to vector<1x1xf32>
    %squeeze3A_110 = vector.extract %slice3A_109[0, 0] : f32 from vector<1x1xf32>
    %gt3A_111 = vector.broadcast %squeeze3A_110 : f32 to vector<32x1024xf32>
    %gt3A_112 = arith.cmpf ogt, %sqrt3A, %gt3A_111 : vector<32x1024xf32>
    %convert_element_type3A_113 = arith.extui %gt3A_112 : vector<32x1024xi1> to vector<32x1024xi32>
    %add3A_114 = arith.addi %add3A_108, %convert_element_type3A_113 : vector<32x1024xi32>
    %slice3A_115 = vector.extract_strided_slice %get3A_7 {offsets = [15, 0], sizes = [1, 1], strides = [1, 1]} : vector<21x1xf32> to vector<1x1xf32>
    %squeeze3A_116 = vector.extract %slice3A_115[0, 0] : f32 from vector<1x1xf32>
    %gt3A_117 = vector.broadcast %squeeze3A_116 : f32 to vector<32x1024xf32>
    %gt3A_118 = arith.cmpf ogt, %sqrt3A, %gt3A_117 : vector<32x1024xf32>
    %convert_element_type3A_119 = arith.extui %gt3A_118 : vector<32x1024xi1> to vector<32x1024xi32>
    %add3A_120 = arith.addi %add3A_114, %convert_element_type3A_119 : vector<32x1024xi32>
    %slice3A_121 = vector.extract_strided_slice %get3A_7 {offsets = [16, 0], sizes = [1, 1], strides = [1, 1]} : vector<21x1xf32> to vector<1x1xf32>
    %squeeze3A_122 = vector.extract %slice3A_121[0, 0] : f32 from vector<1x1xf32>
    %gt3A_123 = vector.broadcast %squeeze3A_122 : f32 to vector<32x1024xf32>
    %gt3A_124 = arith.cmpf ogt, %sqrt3A, %gt3A_123 : vector<32x1024xf32>
    %convert_element_type3A_125 = arith.extui %gt3A_124 : vector<32x1024xi1> to vector<32x1024xi32>
    %add3A_126 = arith.addi %add3A_120, %convert_element_type3A_125 : vector<32x1024xi32>
    %slice3A_127 = vector.extract_strided_slice %get3A_7 {offsets = [17, 0], sizes = [1, 1], strides = [1, 1]} : vector<21x1xf32> to vector<1x1xf32>
    %squeeze3A_128 = vector.extract %slice3A_127[0, 0] : f32 from vector<1x1xf32>
    %gt3A_129 = vector.broadcast %squeeze3A_128 : f32 to vector<32x1024xf32>
    %gt3A_130 = arith.cmpf ogt, %sqrt3A, %gt3A_129 : vector<32x1024xf32>
    %convert_element_type3A_131 = arith.extui %gt3A_130 : vector<32x1024xi1> to vector<32x1024xi32>
    %add3A_132 = arith.addi %add3A_126, %convert_element_type3A_131 : vector<32x1024xi32>
    %slice3A_133 = vector.extract_strided_slice %get3A_7 {offsets = [18, 0], sizes = [1, 1], strides = [1, 1]} : vector<21x1xf32> to vector<1x1xf32>
    %squeeze3A_134 = vector.extract %slice3A_133[0, 0] : f32 from vector<1x1xf32>
    %gt3A_135 = vector.broadcast %squeeze3A_134 : f32 to vector<32x1024xf32>
    %gt3A_136 = arith.cmpf ogt, %sqrt3A, %gt3A_135 : vector<32x1024xf32>
    %convert_element_type3A_137 = arith.extui %gt3A_136 : vector<32x1024xi1> to vector<32x1024xi32>
    %add3A_138 = arith.addi %add3A_132, %convert_element_type3A_137 : vector<32x1024xi32>
    %slice3A_139 = vector.extract_strided_slice %get3A_7 {offsets = [19, 0], sizes = [1, 1], strides = [1, 1]} : vector<21x1xf32> to vector<1x1xf32>
    %squeeze3A_140 = vector.extract %slice3A_139[0, 0] : f32 from vector<1x1xf32>
    %gt3A_141 = vector.broadcast %squeeze3A_140 : f32 to vector<32x1024xf32>
    %gt3A_142 = arith.cmpf ogt, %sqrt3A, %gt3A_141 : vector<32x1024xf32>
    %convert_element_type3A_143 = arith.extui %gt3A_142 : vector<32x1024xi1> to vector<32x1024xi32>
    %add3A_144 = arith.addi %add3A_138, %convert_element_type3A_143 : vector<32x1024xi32>
    %slice3A_145 = vector.extract_strided_slice %get3A_7 {offsets = [20, 0], sizes = [1, 1], strides = [1, 1]} : vector<21x1xf32> to vector<1x1xf32>
    %squeeze3A_146 = vector.extract %slice3A_145[0, 0] : f32 from vector<1x1xf32>
    %gt3A_147 = vector.broadcast %squeeze3A_146 : f32 to vector<32x1024xf32>
    %gt3A_148 = arith.cmpf ogt, %sqrt3A, %gt3A_147 : vector<32x1024xf32>
    %convert_element_type3A_149 = arith.extui %gt3A_148 : vector<32x1024xi1> to vector<32x1024xi32>
    %add3A_150 = arith.addi %add3A_144, %convert_element_type3A_149 : vector<32x1024xi32>
    %swap3A = arith.constant 0 : index
    %swap3A_151 = arith.constant 0 : index
    %swap3A_152 = vector.load %arg4[%swap3A, %swap3A_151] : memref<32x1024xi32, #tpu.memory_space<vmem>>, vector<32x1024xi32>
    tpu.vector_store %arg4[%swap3A, %swap3A_151], %add3A_150 {strides = array<i32>} : memref<32x1024xi32, #tpu.memory_space<vmem>>, vector<32x1024xi32>,
    return
  }
  func.func @transform_0(%arg0: i32) -> (i32, i32) {
    %c0_i32 = arith.constant 0 : i32
    %c0_i32_0 = arith.constant 0 : i32
    return %arg0, %c0_i32 : i32, i32
  }
  func.func @transform_1(%arg0: i32) -> (i32, i32) {
    %c0_i32 = arith.constant 0 : i32
    %c0_i32_0 = arith.constant 0 : i32
    %c0_i32_1 = arith.constant 0 : i32
    return %c0_i32, %c0_i32_0 : i32, i32
  }
  func.func @transform_2(%arg0: i32) -> (i32, i32) {
    %c0_i32 = arith.constant 0 : i32
    %c0_i32_0 = arith.constant 0 : i32
    %c0_i32_1 = arith.constant 0 : i32
    return %c0_i32, %c0_i32_0 : i32, i32
  }
  func.func @transform_3(%arg0: i32) -> (i32, i32) {
    %c0_i32 = arith.constant 0 : i32
    %c0_i32_0 = arith.constant 0 : i32
    return %arg0, %c0_i32 : i32, i32
  }
}

</mosaic_0001>

<sc_bundles>
// kernel: kernel.4.cloned.1.call-start
scs
__scs_entry_jumppad:
0x0: {  	(pc) =	sbr.rel $0x88, $3  }
0x1: {  	(tag) =	ssettag $0x0;
	lr =	simm.s32 $0x1  }
0x2: {  	[smem:$0x3F9E] =	sst lr;
	_ =	strace $0xD0000000  }
0x3: {  	_ = 	snop  }
0x4: {  	_ = 	snop  }
0x5: {  	_ = 	snop  }
0x6: {  	_ = 	snop  }
0x7: {  	_ = 	snop  }
__scs_overlays_trampoline_lowered:
0x8: {  	[smem:$0x3FAD] =	sst s0  }
0x9: {  	[smem:$0x3FAE] =	sst s1  }
0xa: {  	[smem:$0x3FAF] =	sst s2  }
0xb: {  	[smem:$0x3FB0] =	sst s3  }
0xc: {  	[smem:$0x3FB1] =	sst s4  }
0xd: {  	[smem:$0x3FB2] =	sst s5  }
0xe: {  	[smem:$0x3FB3] =	sst s6  }
0xf: {  	[smem:$0x3FB4] =	sst s7  }
0x10: {  	[smem:$0x3FB5] =	sst s8  }
0x11: {  	[smem:$0x3FB6] =	sst s9;
	s0 =	simm.s32 @!p0 $0x0  }
0x12: {  	s1 =	sld [smem:$0x3F9C];
	s0 =	simm.s32 @p0 $0x1  }
0x13: {  	[smem:$0x3FB7] =	sst s0;
	s0 =	simm.s32 @!p1 $0x0  }
0x14: {  	s2 =	sld [smem:$0x3F9B];
	s0 =	simm.s32 @p1 $0x1  }
0x15: {  	[smem:$0x3FB8] =	sst s0;
	s0 =	simm.s32 @!p2 $0x0  }
0x16: {  	s3 =	sld [smem:$0x3FDB];
	s0 =	simm.s32 @p2 $0x1  }
0x17: {  	s4 =	simm.s32 $0x1BF5;
	[smem:$0x3FBA] =	sst s0  }
0x18: {  	s0 =	sld [smem:$0x3F9D];
	_ =	swait.ge [sflag:s4], $0x0  }
0x19: {  	s7 =	sld [smem:$0x3F9E]  }
0x1a: {  	s8 =	sadd.s32 $0xFFFFE003, lr  }
0x1b: {  	s9 =	sadd.s32 $0xFFFFFEF7, lr;
	s5 =	simm.s32 $0xFFFFFFFF;
	p2 =	slt.u32 s8, $0xFFFFF086  }
0x1c: {  	p1 =	slt.u32 s9, $0xF7A;
	s5 =	simm.s32 @!p2 $0x0  }
0x1d: {  	s5 =	simm.s32 @p1 $0x1;
	p0 =	seq.s32 s7, s2  }
0x1e: {  	s7 =	smul.u32 @!p0 $0xF7A, s2;
	p2 =	seq.s32 @!p0 s5, $0x0  }
0x1f: {  	s9 =	smul.u32 $0xF7A, s1;
	s8 =	simm.s32 @!p0 $0x1BF5;
	p2 =	por !p2, p0  }
0x20: {  	[sflag:s8] =	ssyncset.s32 @!p0 $0xFFFFF086;
	s6 =	sadd.s32 @!p0 s3, s7;
	s7 =	simm.s32 @!p0 $0x108  }
0x21: {  	s3 =	sadd.s32 s3, s9;
	s6 =	sadd.s32 @!p0 $0x88, s6;
	s7 =	simm.s32 @p2 $0x1082  }
0x22: {  	[simem:s7], [sflag:s8] =	dma.local @!p0 [hbm:s6], $0xF7A  }
0x23: {  	s9 =	sor.u32 $0xD0000000, s2;
	s6 =	simm.s32 $0x108;
	_ =	swait.ge @!p0 [sflag:s8], $0x0  }
0x24: {  	s3 =	sadd.s32 $0x88, s3;
	s6 =	simm.s32 @!p1 $0x1082;
	[sflag:s4] =	ssyncset.s32 $0xFFFFF086  }
0x25: {  	[simem:s6], [sflag:s4] =	dma.local [hbm:s3], $0xF7A  }
0x26: {  	[smem:$0x3F9E] =	sst s1;
	(tag) =	ssettag s2;
	_ =	strace s9  }
0x27: {  	s1 =	sld [smem:$0x3FAE]  }
0x28: {  	s2 =	sld [smem:$0x3FAF]  }
0x29: {  	s4 =	sld [smem:$0x3FB1]  }
0x2a: {  	p0 =	seq.s32 s5, $0x0;
	s5 =	sld [smem:$0x3FB2]  }
0x2b: {  	s6 =	sld [smem:$0x3FB3]  }
0x2c: {  	s7 =	sld [smem:$0x3FB4]  }
0x2d: {  	s3 =	simm.s32 $0x108;
	s8 =	sld [smem:$0x3FB5]  }
0x2e: {  	s3 =	simm.s32 @!p0 $0x1082;
	s9 =	sld [smem:$0x3FB6]  }
0x2f: {  	lr =	sadd.s32 s0, s3;
	s0 =	sld [smem:$0x3FAD]  }
0x30: {  	s3 =	sld [smem:$0x3FB0]  }
0x31: {  	[smem:$0x3FB9] =	sst s10  }
0x32: {  	s10 =	sld [smem:$0x3FB7];
	_ =	sdelay $0x3  }
0x33: {  	p0 =	seq.s32 s10, $0x1;
	s10 =	sld [smem:$0x3FB9];
	_ =	sdelay $0x3  }
0x34: {  	[smem:$0x3FB9] =	sst s10  }
0x35: {  	s10 =	sld [smem:$0x3FB8];
	_ =	sdelay $0x3  }
0x36: {  	p1 =	seq.s32 s10, $0x1;
	s10 =	sld [smem:$0x3FB9];
	_ =	sdelay $0x3  }
0x37: {  	[smem:$0x3FB9] =	sst s10  }
0x38: {  	s10 =	sld [smem:$0x3FBA]  }
0x39: {  	_ = 	snop;
	(pc) =	sbr.ind lr, $3  }
0x3a: {  	_ = 	snop  }
0x3b: {  	_ = 	snop  }
0x3c: {  	p2 =	seq.s32 s10, $0x1;
	s10 =	sld [smem:$0x3FB9]  }
0x3d: {  	_ =	shalt  }
0x3e: {  	_ =	shalt  }
0x3f: {  	_ =	shalt  }
0x40: {  	_ =	shalt  }
0x41: {  	_ =	shalt  }
0x42: {  	_ =	shalt  }
0x43: {  	_ =	shalt  }
0x44: {  	_ =	shalt  }
0x45: {  	_ =	shalt  }
0x46: {  	_ =	shalt  }
0x47: {  	_ =	shalt  }
0x48: {  	_ =	shalt  }
0x49: {  	_ =	shalt  }
0x4a: {  	_ =	shalt  }
0x4b: {  	_ =	shalt  }
0x4c: {  	_ =	shalt  }
0x4d: {  	_ =	shalt  }
0x4e: {  	_ =	shalt  }
0x4f: {  	_ =	shalt  }
0x50: {  	_ =	shalt  }
0x51: {  	_ =	shalt  }
0x52: {  	_ =	shalt  }
0x53: {  	_ =	shalt  }
0x54: {  	_ =	shalt  }
0x55: {  	_ =	shalt  }
0x56: {  	_ =	shalt  }
0x57: {  	_ =	shalt  }
0x58: {  	_ =	shalt  }
0x59: {  	_ =	shalt  }
0x5a: {  	_ =	shalt  }
0x5b: {  	_ =	shalt  }
0x5c: {  	_ =	shalt  }
0x5d: {  	_ =	shalt  }
0x5e: {  	_ =	shalt  }
0x5f: {  	_ =	shalt  }
0x60: {  	_ =	shalt  }
0x61: {  	_ =	shalt  }
0x62: {  	_ =	shalt  }
0x63: {  	_ =	shalt  }
0x64: {  	_ =	shalt  }
0x65: {  	_ =	shalt  }
0x66: {  	_ =	shalt  }
0x67: {  	_ =	shalt  }
0x68: {  	_ =	shalt  }
0x69: {  	_ =	shalt  }
0x6a: {  	_ =	shalt  }
0x6b: {  	_ =	shalt  }
0x6c: {  	_ =	shalt  }
0x6d: {  	_ =	shalt  }
0x6e: {  	_ =	shalt  }
0x6f: {  	_ =	shalt  }
0x70: {  	_ =	shalt  }
0x71: {  	_ =	shalt  }
0x72: {  	_ =	shalt  }
0x73: {  	_ =	shalt  }
0x74: {  	_ =	shalt  }
0x75: {  	_ =	shalt  }
0x76: {  	_ =	shalt  }
0x77: {  	_ =	shalt  }
0x78: {  	_ =	shalt  }
0x79: {  	_ =	shalt  }
0x7a: {  	_ =	shalt  }
0x7b: {  	_ =	shalt  }
0x7c: {  	_ =	shalt  }
0x7d: {  	_ =	shalt  }
0x7e: {  	_ =	shalt  }
0x7f: {  	_ =	shalt  }
0x80: {  	_ =	shalt  }
0x81: {  	_ =	shalt  }
0x82: {  	_ =	shalt  }
0x83: {  	_ =	shalt  }
0x84: {  	_ =	shalt  }
0x85: {  	_ =	shalt  }
0x86: {  	_ =	shalt  }
0x87: {  	_ =	shalt  }
.Lfunc_end0:
.L_simem_size_0:
called_computation.1_lowered:
.L_overlay_start_0:
0x88: {  	s2 =	sld [smem:$0x3FD9]  }
0x89: {  	s3 =	sld [smem:$0x3FFE];
	_ =	sdelay $0x1  }
0x8a: {  	s1 =	srdreg.scid  }
0x8b: {  	s0 =	sand.u32 $0x1, s1  }
0x8c: {  	s17 =	sshll.u32 s0, $0xA;
	s2 =	sadd.s32 s3, s2  }
0x8d: {  	s2 =	sadd.s32 s2, s17  }
0x8e: {  	[smem:$0x3FC5] =	sst s2  }
0x8f: {  	_ = 	snop  }
0x90: {  	s2 =	sld [smem:$0x3FD0];
	(tm) =	ssettm $0x1  }
0x91: {  	s18 =	sld [smem:$0x3FFB];
	_ =	sdelay $0x3  }
0x92: {  	_ =	strace s18  }
0x93: {  	s3 =	sld [smem:$0x3FFC];
	_ =	sdelay $0x3  }
0x94: {  	_ =	strace s3  }
0x95: {  	s3 =	sld [smem:$0x3FFD];
	_ =	sdelay $0x3  }
0x96: {  	_ =	strace s3  }
0x97: {  	_ =	strace $0x8FFFFFFF  }
0x98: {  	s19 =	sld [smem:$0x3FDB];
	_ =	sdelay $0x1  }
0x99: {  	s4 =	simm.s32 $_scs_section_size  }
0x9a: {  	s5 =	simm.s32 $_size__tile_overlayer_lowered;
	s6 =	simm.s32 $_tile_overlayer_lowered  }
0x9b: {  	s22 =	simm.s32 $0x1BFF;
	s21 =	sshll.u32 s6, $0x1;
	s3 =	sadd.s32 s4, s19  }
0x9c: {  	s7 =	simm.s32 $0x0;
	s20 =	sshll.u32 s5, $0x1;
	s5 =	sadd.s32 s21, s3  }
0x9d: {  	[timem:s7], [sflag:s22] =	dma.local [hbm:s5], s20  }
0x9e: {  	_ =	swait.ge [sflag:s22], s20  }
0x9f: {  	s4 =	ssub.s32 $0x0, s20;
	[sflag:s22] =	ssyncset.done $0x0  }
0xa0: {  	[sflag:s22] =	ssyncadd.s32 s4;
	_ =	sdelay $0x1  }
0xa1: {  	s23 =	simm.s32 $0x1B8B  }
0xa2: {  	_ =	swait.ge [sflag:s23], $0x1  }
0xa3: {  	[sflag:s23] =	ssyncset.done $0x0  }
0xa4: {  	s25 =	simm.s32 $0x1B8E;
	s24 =	sld [smem:$0x3FFE];
	[sflag:s23] =	ssyncadd.s32 $0xFFFFFFFF  }
0xa5: {  	s26 =	simm.s32 $execute0_lowered;
	[smem:$0x3FD2] =	sst s25  }
0xa6: {  	s5 =	sshll.u32 s26, $0x1;
	_ =	strace $0x80000046;
	[dreg:$0x1] =	wrdreg $0xFFFFFFFF  }
0xa7: {  	s28 =	simm.s32 $_size_execute0_lowered;
	s3 =	sadd.s32 s3, s5;
	[dreg:$0x0] =	wrdreg $0x0  }
0xa8: {  	s5 =	sshll.u32 s28, $0x1;
	[dreg:$0x2] =	wrdreg s3  }
0xa9: {  	[dreg:$0x3] =	wrdreg s5  }
0xaa: {  	[dreg:$0x4] =	wrdreg $0xC0  }
0xab: {  	_ =	task [dreg:s7], $0x5FFFF  }
0xac: {  	[dreg:$0x1] =	wrdreg $0xFFFFFFFF  }
0xad: {  	[dreg:$0x0] =	wrdreg $0x60  }
0xae: {  	[dreg:$0x2] =	wrdreg s24  }
0xaf: {  	[dreg:$0x3] =	wrdreg s2  }
0xb0: {  	[dreg:$0x4] =	wrdreg $0x9  }
0xb1: {  	_ =	task.clear_ibuf [dreg:s7], $0x5FFFF;
	_ =	strace $0x90000046  }
0xb2: {  	s29 =	simm.s32 $0x9;
	_ =	strace $0x80000048  }
0xb3: {  	_ =	swait.ge [sflag:s29], $0x1  }
0xb4: {  	[sflag:s29] =	ssyncadd.s32 $0xFFFFFFFF  }
0xb5: {  	_ =	strace $0x90000048  }
0xb6: {  	_ =	sfence  }
0xb7: {  	s30 =	sld [smem:$0x0];
	_ =	sdelay $0x2  }
0xb8: {  	s31 =	sshll.u32 s1, $0xD;
	s1 =	sshrl.u32 s1, $0x2  }
0xb9: {  	s3 =	sand.u32 $0x4000, s31;
	s1 =	sadd.s32 s1, s30  }
0xba: {  	s0 =	sor.u32 s3, s0;
	s1 =	sshll.u32 s1, $0x11  }
0xbb: {  	s0 =	sor.u32 s1, s0  }
0xbc: {  	s0 =	sadd.s32 $0x8F2B, s0  }
0xbd: {  	[sflag:s0] =	ssyncadd.remote.s32 $0x1  }
0xbe: {  	_ =	sfence.sel $0xFFFF  }
0xbf: {  	[dreg:$0x0] =	wrdreg $0xFFFFFFFF;
	(pc) =	sbr.abs _section_cstart, $3  }
0xc0: {  	[dreg:$0x1] =	wrdreg $0xFFFFFFFF  }
0xc1: {  	_ =	task.clear_ibuf [dreg:s7], $0x2FFFF;
	_ =	strace $0x9FFFFFFF  }
0xc2: {  	(tm) =	ssettm $0x7FFFFFFF  }
0xc3: {  	_ =	shalt  }
tec
execute0_lowered:
.L_overlay_start_1:
0x0: {  	(tag) =	ssettag $0x1  }
0x1: {  	s3 =	rddreg [dreg:$0x0]  }
0x2: {  	s4 =	rddreg [dreg:$0x1]  }
0x3: {  	s0 =	rddreg [dreg:$0x2];
	s2 =	simm.s32 $0x0;
	s5 =	srdreg.scid  }
0x4: {  	s1 =	stileid.u32;
	s10 =	simm.s32 $0x2400;
	s11 =	simm.s32 $0x100  }
0x5: {  	s12 =	simm.s32 $0x4400;
	s13 =	simm.s32 $0x180;
	s14 =	simm.s32 $0x6400  }
0x6: {  	s15 =	simm.s32 $0x200;
	s16 =	simm.s32 $0x8400;
	s17 =	simm.s32 $0x280  }
0x7: {  	s18 =	simm.s32 $0xA400;
	s19 =	simm.s32 $0x300;
	s20 =	simm.s32 $0xC400  }
0x8: {  	s21 =	simm.s32 $0x380;
	s22 =	simm.s32 $0xE400;
	s23 =	simm.s32 $0x1  }
0x9: {  	s24 =	simm.s32 $0x0;
	[smem:$0x7FF] =	sst s2;
	s5 =	sand.u32 $0x1, s5  }
0xa: {  	s6 =	sshll.u32 s1, $0xD;
	s31 =	sshll.u32 s1, $0x13;
	_ =	strace $0x80000047  }
0xb: {  	s7 =	ssub.s32 $0x2, s5;
	s6 =	sadd.s32 s6, s3;
	s3 =	sadd.s32 $0xA00, s3  }
0xc: {  	s9 =	sshll.u32 s5, $0xC;
	s5 =	sshll.u32 s5, $0x12;
	s8 =	sshrl.u32 s7, $0x1  }
0xd: {  	s6 =	sadd.s32 s9, s6;
	s9 =	simm.s32 $0x400;
	s7 =	ssub.s32 s7, s8  }
0xe: {  	s8 =	sadd.s32 s31, s4;
	s6 =	sadd.s32 $0xC00, s6;
	s4 =	smax.u32 s7, $0x1  }
0xf: {  	s5 =	sadd.s32 s5, s8;
	s7 =	simm.s32 $0x2;
	s8 =	simm.s32 $0x80  }
.LBB2_1:
0x10: {  	s25 =	sadd.s32 $0x0, s6  }
0x11: {  	[tilespmem:s2], [sflag:$0x2] =	stream.linear.gather [hbm4b:s25+s2], $0x400, $0x38;
	[tilespmem:$0x10400] =	vst v63  }
0x12: {  	_ =	swait.ge [sflag:s7], $0x400  }
0x13: {  	[sflag:s7] =	ssyncset.done $0x0  }
0x14: {  	[sflag:s7] =	ssyncadd.s32 $0xFFFFFC00  }
0x15: {  	[tilespmem:s9], [sflag:$0x1] =	stream.indirect.gather [hbm4b:s3+s8], $0x40, s2, s8, $0xb8;
	[tilespmem:$0x10400] =	vst v63  }
0x16: {  	_ = 	snop  }
0x17: {  	[tilespmem:s10], [sflag:$0x1] =	stream.indirect.gather [hbm4b:s3+s8], $0x40, s8, s8, $0xb8;
	[tilespmem:$0x10400] =	vst v63  }
0x18: {  	_ = 	snop  }
0x19: {  	[tilespmem:s12], [sflag:$0x1] =	stream.indirect.gather [hbm4b:s3+s8], $0x40, s11, s8, $0xb8;
	[tilespmem:$0x10400] =	vst v63  }
0x1a: {  	_ = 	snop  }
0x1b: {  	[tilespmem:s14], [sflag:$0x1] =	stream.indirect.gather [hbm4b:s3+s8], $0x40, s13, s8, $0xb8;
	[tilespmem:$0x10400] =	vst v63  }
0x1c: {  	_ = 	snop  }
0x1d: {  	[tilespmem:s16], [sflag:$0x1] =	stream.indirect.gather [hbm4b:s3+s8], $0x40, s15, s8, $0xb8;
	[tilespmem:$0x10400] =	vst v63  }
0x1e: {  	_ = 	snop  }
0x1f: {  	[tilespmem:s18], [sflag:$0x1] =	stream.indirect.gather [hbm4b:s3+s8], $0x40, s17, s8, $0xb8;
	[tilespmem:$0x10400] =	vst v63  }
0x20: {  	_ = 	snop  }
0x21: {  	[tilespmem:s20], [sflag:$0x1] =	stream.indirect.gather [hbm4b:s3+s8], $0x40, s19, s8, $0xb8;
	[tilespmem:$0x10400] =	vst v63  }
0x22: {  	_ = 	snop  }
0x23: {  	[tilespmem:s22], [sflag:$0x1] =	stream.indirect.gather [hbm4b:s3+s8], $0x40, s21, s8, $0xb8;
	[tilespmem:$0x10400] =	vst v63  }
0x24: {  	_ =	swait.ge [sflag:s23], $0x2000  }
0x25: {  	[sflag:s23] =	ssyncset.done $0x0  }
0x26: {  	[sflag:s23] =	ssyncadd.s32 $0xFFFFE000  }
0x27: {  	_ =	swait.ge [sflag:s23], $0x2000  }
0x28: {  	[sflag:s23] =	ssyncset.done $0x0  }
0x29: {  	[sflag:s23] =	ssyncadd.s32 $0xFFFFE000  }
0x2a: {  	_ =	swait.ge [sflag:s23], $0x2000  }
0x2b: {  	[sflag:s23] =	ssyncset.done $0x0  }
0x2c: {  	[sflag:s23] =	ssyncadd.s32 $0xFFFFE000  }
0x2d: {  	_ =	swait.ge [sflag:s23], $0x2000  }
0x2e: {  	[sflag:s23] =	ssyncset.done $0x0  }
0x2f: {  	[sflag:s23] =	ssyncadd.s32 $0xFFFFE000  }
0x30: {  	_ =	swait.ge [sflag:s23], $0x2000  }
0x31: {  	[sflag:s23] =	ssyncset.done $0x0  }
0x32: {  	[sflag:s23] =	ssyncadd.s32 $0xFFFFE000  }
0x33: {  	_ =	swait.ge [sflag:s23], $0x2000  }
0x34: {  	[sflag:s23] =	ssyncset.done $0x0  }
0x35: {  	[sflag:s23] =	ssyncadd.s32 $0xFFFFE000  }
0x36: {  	_ =	swait.ge [sflag:s23], $0x2000  }
0x37: {  	[sflag:s23] =	ssyncset.done $0x0  }
0x38: {  	[sflag:s23] =	ssyncadd.s32 $0xFFFFE000  }
0x39: {  	_ =	swait.ge [sflag:s23], $0x2000  }
0x3a: {  	[sflag:s23] =	ssyncset.done $0x0  }
0x3b: {  	[sflag:s23] =	ssyncadd.s32 $0xFFFFE000  }
0x3c: {  	[hbm4b:s5+s2] =	stream.linear.scatter [tilespmem:s9], [sflag:$0x2], $0x10000, $0x38;
	[tilespmem:$0x10400] =	vst v63  }
0x3d: {  	s26 =	simm.s32 $0x80;
	_ =	swait.ge [sflag:s7], $0x10000  }
0x3e: {  	s29 =	simm.s32 $0x100;
	s25 =	sadd.s32 $0x2000, s5;
	[sflag:s7] =	ssyncset.done $0x0  }
.LBB2_2:
0x3f: {  	s30 =	sadd.s32 s26, s6  }
0x40: {  	[sflag:s7] =	ssyncadd.s32 $0xFFFF0000;
	s26 =	smov.u32 s29;
	s28 =	sadd.s32 $0x80, s29  }
0x41: {  	[tilespmem:s2], [sflag:$0x2] =	stream.linear.gather [hbm4b:s30+s2], $0x400, $0x38;
	[tilespmem:$0x10400] =	vst v63  }
0x42: {  	p0 =	sne.s32 s29, $0xF80;
	_ =	swait.ge [sflag:s7], $0x400  }
0x43: {  	[sflag:s7] =	ssyncset.done $0x0  }
0x44: {  	[sflag:s7] =	ssyncadd.s32 $0xFFFFFC00  }
0x45: {  	[tilespmem:s9], [sflag:$0x1] =	stream.indirect.gather [hbm4b:s3+s8], $0x40, s2, s8, $0xb8;
	[tilespmem:$0x10400] =	vst v63  }
0x46: {  	_ = 	snop  }
0x47: {  	[tilespmem:s10], [sflag:$0x1] =	stream.indirect.gather [hbm4b:s3+s8], $0x40, s8, s8, $0xb8;
	[tilespmem:$0x10400] =	vst v63  }
0x48: {  	_ = 	snop  }
0x49: {  	[tilespmem:s12], [sflag:$0x1] =	stream.indirect.gather [hbm4b:s3+s8], $0x40, s11, s8, $0xb8;
	[tilespmem:$0x10400] =	vst v63  }
0x4a: {  	_ = 	snop  }
0x4b: {  	[tilespmem:s14], [sflag:$0x1] =	stream.indirect.gather [hbm4b:s3+s8], $0x40, s13, s8, $0xb8;
	[tilespmem:$0x10400] =	vst v63  }
0x4c: {  	_ = 	snop  }
0x4d: {  	[tilespmem:s16], [sflag:$0x1] =	stream.indirect.gather [hbm4b:s3+s8], $0x40, s15, s8, $0xb8;
	[tilespmem:$0x10400] =	vst v63  }
0x4e: {  	_ = 	snop  }
0x4f: {  	[tilespmem:s18], [sflag:$0x1] =	stream.indirect.gather [hbm4b:s3+s8], $0x40, s17, s8, $0xb8;
	[tilespmem:$0x10400] =	vst v63  }
0x50: {  	_ = 	snop  }
0x51: {  	[tilespmem:s20], [sflag:$0x1] =	stream.indirect.gather [hbm4b:s3+s8], $0x40, s19, s8, $0xb8;
	[tilespmem:$0x10400] =	vst v63  }
0x52: {  	_ = 	snop  }
0x53: {  	[tilespmem:s22], [sflag:$0x1] =	stream.indirect.gather [hbm4b:s3+s8], $0x40, s21, s8, $0xb8;
	[tilespmem:$0x10400] =	vst v63  }
0x54: {  	_ =	swait.ge [sflag:s23], $0x2000  }
0x55: {  	[sflag:s23] =	ssyncset.done $0x0  }
0x56: {  	[sflag:s23] =	ssyncadd.s32 $0xFFFFE000  }
0x57: {  	_ =	swait.ge [sflag:s23], $0x2000  }
0x58: {  	[sflag:s23] =	ssyncset.done $0x0  }
0x59: {  	[sflag:s23] =	ssyncadd.s32 $0xFFFFE000  }
0x5a: {  	_ =	swait.ge [sflag:s23], $0x2000  }
0x5b: {  	[sflag:s23] =	ssyncset.done $0x0  }
0x5c: {  	[sflag:s23] =	ssyncadd.s32 $0xFFFFE000  }
0x5d: {  	_ =	swait.ge [sflag:s23], $0x2000  }
0x5e: {  	[sflag:s23] =	ssyncset.done $0x0  }
0x5f: {  	[sflag:s23] =	ssyncadd.s32 $0xFFFFE000  }
0x60: {  	_ =	swait.ge [sflag:s23], $0x2000  }
0x61: {  	[sflag:s23] =	ssyncset.done $0x0  }
0x62: {  	[sflag:s23] =	ssyncadd.s32 $0xFFFFE000  }
0x63: {  	_ =	swait.ge [sflag:s23], $0x2000  }
0x64: {  	[sflag:s23] =	ssyncset.done $0x0  }
0x65: {  	[sflag:s23] =	ssyncadd.s32 $0xFFFFE000  }
0x66: {  	_ =	swait.ge [sflag:s23], $0x2000  }
0x67: {  	[sflag:s23] =	ssyncset.done $0x0  }
0x68: {  	[sflag:s23] =	ssyncadd.s32 $0xFFFFE000  }
0x69: {  	_ =	swait.ge [sflag:s23], $0x2000  }
.Ltmp0:
0x6a: {  	[sflag:s23] =	ssyncset.done $0x0;
	(pc) =	sbr.rel @p0 .LBB2_2-.Ltmp0, $4  }
0x6b: {  	[sflag:s23] =	ssyncadd.s32 $0xFFFFE000  }
0x6c: {  	[hbm4b:s25+s2] =	stream.linear.scatter [tilespmem:s9], [sflag:$0x2], $0x10000, $0x38;
	[tilespmem:$0x10400] =	vst v63  }
0x6d: {  	_ =	swait.ge [sflag:s7], $0x10000  }
0x6e: {  	s29 =	smov.u32 s28;
	s25 =	sadd.s32 $0x2000, s25;
	[sflag:s7] =	ssyncset.done $0x0  }
0x6f: {  	s26 =	sadd.s32 s26, s6;
	[sflag:s7] =	ssyncadd.s32 $0xFFFF0000  }
0x70: {  	[tilespmem:s2], [sflag:$0x2] =	stream.linear.gather [hbm4b:s26+s2], $0x400, $0x38;
	[tilespmem:$0x10400] =	vst v63  }
0x71: {  	_ =	swait.ge [sflag:s7], $0x400  }
0x72: {  	[sflag:s7] =	ssyncset.done $0x0  }
0x73: {  	[sflag:s7] =	ssyncadd.s32 $0xFFFFFC00  }
0x74: {  	[tilespmem:s9], [sflag:$0x1] =	stream.indirect.gather [hbm4b:s3+s8], $0x40, s2, s8, $0xb8;
	[tilespmem:$0x10400] =	vst v63  }
0x75: {  	_ = 	snop  }
0x76: {  	[tilespmem:s10], [sflag:$0x1] =	stream.indirect.gather [hbm4b:s3+s8], $0x40, s8, s8, $0xb8;
	[tilespmem:$0x10400] =	vst v63  }
0x77: {  	_ = 	snop  }
0x78: {  	[tilespmem:s12], [sflag:$0x1] =	stream.indirect.gather [hbm4b:s3+s8], $0x40, s11, s8, $0xb8;
	[tilespmem:$0x10400] =	vst v63  }
0x79: {  	_ = 	snop  }
0x7a: {  	[tilespmem:s14], [sflag:$0x1] =	stream.indirect.gather [hbm4b:s3+s8], $0x40, s13, s8, $0xb8;
	[tilespmem:$0x10400] =	vst v63  }
0x7b: {  	_ = 	snop  }
0x7c: {  	[tilespmem:s16], [sflag:$0x1] =	stream.indirect.gather [hbm4b:s3+s8], $0x40, s15, s8, $0xb8;
	[tilespmem:$0x10400] =	vst v63  }
0x7d: {  	_ = 	snop  }
0x7e: {  	[tilespmem:s18], [sflag:$0x1] =	stream.indirect.gather [hbm4b:s3+s8], $0x40, s17, s8, $0xb8;
	[tilespmem:$0x10400] =	vst v63  }
0x7f: {  	_ = 	snop  }
0x80: {  	[tilespmem:s20], [sflag:$0x1] =	stream.indirect.gather [hbm4b:s3+s8], $0x40, s19, s8, $0xb8;
	[tilespmem:$0x10400] =	vst v63  }
0x81: {  	_ = 	snop  }
0x82: {  	[tilespmem:s22], [sflag:$0x1] =	stream.indirect.gather [hbm4b:s3+s8], $0x40, s21, s8, $0xb8;
	[tilespmem:$0x10400] =	vst v63  }
0x83: {  	_ =	swait.ge [sflag:s23], $0x2000  }
0x84: {  	[sflag:s23] =	ssyncset.done $0x0  }
0x85: {  	[sflag:s23] =	ssyncadd.s32 $0xFFFFE000  }
0x86: {  	_ =	swait.ge [sflag:s23], $0x2000  }
0x87: {  	[sflag:s23] =	ssyncset.done $0x0  }
0x88: {  	[sflag:s23] =	ssyncadd.s32 $0xFFFFE000  }
0x89: {  	_ =	swait.ge [sflag:s23], $0x2000  }
0x8a: {  	[sflag:s23] =	ssyncset.done $0x0  }
0x8b: {  	[sflag:s23] =	ssyncadd.s32 $0xFFFFE000  }
0x8c: {  	_ =	swait.ge [sflag:s23], $0x2000  }
0x8d: {  	[sflag:s23] =	ssyncset.done $0x0  }
0x8e: {  	[sflag:s23] =	ssyncadd.s32 $0xFFFFE000  }
0x8f: {  	_ =	swait.ge [sflag:s23], $0x2000  }
0x90: {  	[sflag:s23] =	ssyncset.done $0x0  }
0x91: {  	[sflag:s23] =	ssyncadd.s32 $0xFFFFE000  }
0x92: {  	_ =	swait.ge [sflag:s23], $0x2000  }
0x93: {  	[sflag:s23] =	ssyncset.done $0x0  }
0x94: {  	[sflag:s23] =	ssyncadd.s32 $0xFFFFE000  }
0x95: {  	_ =	swait.ge [sflag:s23], $0x2000  }
0x96: {  	[sflag:s23] =	ssyncset.done $0x0  }
0x97: {  	[sflag:s23] =	ssyncadd.s32 $0xFFFFE000  }
0x98: {  	s24 =	sadd.s32 $0x1, s24;
	_ =	swait.ge [sflag:s23], $0x2000  }
0x99: {  	p0 =	sne.s32 s24, s4;
	[sflag:s23] =	ssyncset.done $0x0  }
.Ltmp1:
0x9a: {  	[sflag:s23] =	ssyncadd.s32 $0xFFFFE000;
	(pc) =	sbr.rel @p0 .LBB2_1-.Ltmp1, $4  }
0x9b: {  	[hbm4b:s25+s2] =	stream.linear.scatter [tilespmem:s9], [sflag:$0x2], $0x10000, $0x38;
	[tilespmem:$0x10400] =	vst v63  }
0x9c: {  	_ =	swait.ge [sflag:s7], $0x10000  }
0x9d: {  	[sflag:s7] =	ssyncset.done $0x0  }
0x9e: {  	[sflag:s7] =	ssyncadd.s32 $0xFFFF0000  }
0x9f: {  	_ =	sfence.sel $0x180000  }
0xa0: {  	[bflag:$0x0] =	sbarrier.arrive $0xFFFF  }
0xa1: {  	p0 =	sne.s32 s1, $0x0;
	_ =	strace $0x90000047  }
0xa2: {  	s0 =	sadd.s32 @!p0 $0x100000, s0;
	[bflag:$0x2] =	sbarrier.arrive $0xFFFF  }
0xa3: {  	[sflag:s0] =	ssyncadd.tile.s32 @!p0 $0x1;
	_ =	shalt  }
.Lfunc_end2:
_tile_overlayer_lowered:
.L_overlay_start_2:
0xa4: {  	(tag) =	ssettag $0x2  }
0xa5: {  	s0 =	rddreg [dreg:$0x0];
	s2 =	stileid.u32  }
0xa6: {  	s1 =	rddreg [dreg:$0x1];
	p0 =	sne.s32 s2, $0x0  }
0xa7: {  	s3 =	rddreg [dreg:$0x2];
	[bflag:$0x3] =	sbarrier.arrive $0xFFFF;
	s2 =	simm.s32 @!p0 $0x1C02  }
0xa8: {  	[timem:s3], [sflag:s2] =	dma.local @!p0 [hbm:s0], s1  }
0xa9: {  	s0 =	simm.s32 @!p0 $0x2  }
0xaa: {  	_ =	swait.ge @!p0 [sflag:s0], s1  }
0xab: {  	s1 =	ssub.s32 @!p0 $0x0, s1;
	[sflag:s0] =	ssyncset.done @!p0 $0x0  }
0xac: {  	[sflag:s0] =	ssyncadd.s32 @!p0 s1  }
0xad: {  	[bflag:$0x3] =	sbarrier.arrive $0xFFFF  }
0xae: {  	_ =	shalt  }

// kernel: sparse-core-data-format-call.cloned.1.call-start
scs
called_computation_lowered:
.L_overlay_start_0:
0x0: {  	s2 =	sld [smem:$0x3FD9]  }
0x1: {  	s3 =	sld [smem:$0x3FFE];
	_ =	sdelay $0x1  }
0x2: {  	s1 =	srdreg.scid  }
0x3: {  	s0 =	sand.u32 $0x1, s1  }
0x4: {  	s18 =	sshll.u32 s0, $0xA;
	s2 =	sadd.s32 s3, s2  }
0x5: {  	s2 =	sadd.s32 s2, s18  }
0x6: {  	[smem:$0x3FC5] =	sst s2  }
0x7: {  	_ = 	snop  }
0x8: {  	s2 =	sld [smem:$0x3FD0];
	(tm) =	ssettm $0x1  }
0x9: {  	s19 =	sld [smem:$0x3FFB];
	_ =	sdelay $0x3  }
0xa: {  	_ =	strace s19  }
0xb: {  	s3 =	sld [smem:$0x3FFC];
	_ =	sdelay $0x3  }
0xc: {  	_ =	strace s3  }
0xd: {  	s3 =	sld [smem:$0x3FFD];
	_ =	sdelay $0x3  }
0xe: {  	_ =	strace s3  }
0xf: {  	_ =	strace $0x8FFFFFFF  }
0x10: {  	s20 =	sld [smem:$0x3FDB];
	_ =	sdelay $0x1  }
0x11: {  	s4 =	simm.s32 $_scs_section_size  }
0x12: {  	s5 =	simm.s32 $_size__tile_overlayer_lowered;
	s6 =	simm.s32 $_tile_overlayer_lowered  }
0x13: {  	s23 =	simm.s32 $0x1BFF;
	s22 =	sshll.u32 s6, $0x1;
	s3 =	sadd.s32 s4, s20  }
0x14: {  	s7 =	simm.s32 $0x0;
	s21 =	sshll.u32 s5, $0x1;
	s5 =	sadd.s32 s22, s3  }
0x15: {  	[timem:s7], [sflag:s23] =	dma.local [hbm:s5], s21  }
0x16: {  	_ =	swait.ge [sflag:s23], s21  }
0x17: {  	s4 =	ssub.s32 $0x0, s21;
	[sflag:s23] =	ssyncset.done $0x0  }
0x18: {  	[sflag:s23] =	ssyncadd.s32 s4;
	_ =	sdelay $0x1  }
0x19: {  	s24 =	simm.s32 $0x1B8B  }
0x1a: {  	_ =	swait.ge [sflag:s24], $0x1  }
0x1b: {  	[sflag:s24] =	ssyncset.done $0x0  }
0x1c: {  	s26 =	simm.s32 $0x1B8E;
	s25 =	sld [smem:$0x3FFE];
	[sflag:s24] =	ssyncadd.s32 $0xFFFFFFFF  }
0x1d: {  	s27 =	simm.s32 $execute0_lowered;
	[smem:$0x3FD2] =	sst s26  }
0x1e: {  	s5 =	sshll.u32 s27, $0x1;
	_ =	strace $0x80000049;
	[dreg:$0x1] =	wrdreg $0xFFFFFFFF  }
0x1f: {  	s28 =	simm.s32 $_size_execute0_lowered;
	s3 =	sadd.s32 s3, s5;
	[dreg:$0x0] =	wrdreg $0x0  }
0x20: {  	s5 =	sshll.u32 s28, $0x1;
	[dreg:$0x2] =	wrdreg s3  }
0x21: {  	[dreg:$0x3] =	wrdreg s5  }
0x22: {  	[dreg:$0x4] =	wrdreg $0xC0  }
0x23: {  	_ =	task [dreg:s7], $0x5FFFF  }
0x24: {  	[dreg:$0x1] =	wrdreg $0xFFFFFFFF  }
0x25: {  	[dreg:$0x0] =	wrdreg $0x60  }
0x26: {  	[dreg:$0x2] =	wrdreg s25  }
0x27: {  	[dreg:$0x3] =	wrdreg s2  }
0x28: {  	[dreg:$0x4] =	wrdreg $0x9  }
0x29: {  	_ =	task.clear_ibuf [dreg:s7], $0x5FFFF;
	_ =	strace $0x90000049  }
0x2a: {  	s29 =	simm.s32 $0x9;
	_ =	strace $0x8000004B  }
0x2b: {  	_ =	swait.ge [sflag:s29], $0x1  }
0x2c: {  	[sflag:s29] =	ssyncadd.s32 $0xFFFFFFFF  }
0x2d: {  	_ =	strace $0x9000004B  }
0x2e: {  	_ =	sfence  }
0x2f: {  	s30 =	sld [smem:$0x0];
	_ =	sdelay $0x2  }
0x30: {  	s31 =	sshll.u32 s1, $0xD;
	s1 =	sshrl.u32 s1, $0x2  }
0x31: {  	s3 =	sand.u32 $0x4000, s31;
	s1 =	sadd.s32 s1, s30  }
0x32: {  	s0 =	sor.u32 s3, s0;
	s1 =	sshll.u32 s1, $0x11  }
0x33: {  	s0 =	sor.u32 s1, s0  }
0x34: {  	s0 =	sadd.s32 $0x8F2B, s0  }
0x35: {  	[sflag:s0] =	ssyncadd.remote.s32 $0x1  }
0x36: {  	_ =	sfence.sel $0xFFFF  }
0x37: {  	[dreg:$0x0] =	wrdreg $0xFFFFFFFF;
	(pc) =	sbr.abs _section_cstart, $3  }
0x38: {  	[dreg:$0x1] =	wrdreg $0xFFFFFFFF  }
0x39: {  	_ =	task.clear_ibuf [dreg:s7], $0x2FFFF;
	_ =	strace $0x9FFFFFFF  }
0x3a: {  	(tm) =	ssettm $0x7FFFFFFF  }
0x3b: {  	_ =	shalt  }
tec
execute0_lowered:
.L_overlay_start_1:
0x0: {  	(tag) =	ssettag $0x1  }
0x1: {  	s0 =	srdreg.scid  }
0x2: {  	s7 =	rddreg [dreg:$0x0];
	s1 =	sshll.u32 s0, $0x4  }
0x3: {  	s3 =	rddreg [dreg:$0x1];
	s0 =	stileid.u32;
	s1 =	sand.u32 $0x10, s1  }
0x4: {  	s6 =	simm.s32 $0x1;
	s31 =	simm.s32 $0x2;
	s1 =	sor.u32 s0, s1  }
0x5: {  	s13 =	simm.s32 $0x0;
	s9 =	simm.s32 $0x2000;
	s2 =	sshll.u32 s1, $0x1  }
0x6: {  	s14 =	simm.s32 $0x0;
	s10 =	simm.s32 $0x0;
	s4 =	ssub.s32 $0x400, s2  }
0x7: {  	s12 =	simm.s32 $0x0;
	s1 =	rddreg [dreg:$0x2];
	s5 =	sand.u32 $0x3E, s4  }
.Ltmp0:
0x8: {  	_ =	strace $0x8000004A;
	p0 =	sne.s32 s5, $0x0;
	(pc) =	sbr.rel .LBB1_1-.Ltmp0, $4  }
0x9: {  	s11 =	smov.u32 s2;
	s8 =	sshrl.u32 s4, $0x6;
	s6 =	simm.s32 @!p0 $0x0  }
0xa: {  	s4 =	sadd.s32 $0xA00, s7;
	s5 =	simm.s32 $0x1;
	s6 =	sadd.s32 s6, s8  }
0xb: {  	s7 =	sadd.s32 $0x4A00, s7;
	[sflag:s5] =	ssyncpa.u1 $0x0;
	s6 =	sshll.u32 s6, $0x3  }
0xc: {  	p0 =	por $0x0, $0x0;
	[sflag:s31] =	ssyncpa.u1 $0x0;
	s8 =	sor.u32 $0x1, s6  }
.LBB1_7:
0xd: {  	s15 =	sadd.s32 $0x80, s10  }
0xe: {  	s13 =	sadd.s32 $0x40, s11;
	s17 =	smov.u32 s11;
	p2 =	sgt.s32 s15, $0x3FF  }
0xf: {  	s17 =	smov.u32 @p2 s13  }
0x10: {  	s15 =	simm.s32 @p2 $0x0;
	p2 =	sgt.s32 s17, $0x3FF  }
0x11: {  	s17 =	smov.u32 @p2 s2;
	p2 =	sne.s32 s12, s8  }
.Ltmp1:
0x12: {  	p1 =	slt.u32 s12, $0x2;
	(pc) =	sbr.rel @!p2 .LBB1_8-.Ltmp1, $4  }
0x13: {  	s16 =	simm.s32 @!p1 $0x2  }
0x14: {  	s14 =	smov.u32 s11;
	p0 =	por !p0, !p0;
	_ =	swait.ge @!p1 [sflag:s16], $0x4000  }
0x15: {  	s13 =	smov.u32 s10;
	[sflag:s16] =	ssyncset.done @!p1 $0x0;
	s10 =	smov.u32 s15  }
0x16: {  	s12 =	sadd.s32 $0x1, s12;
	[sflag:s16] =	ssyncadd.s32 @!p1 $0xFFFFC000;
	s11 =	smov.u32 s17  }
.LBB1_1:
0x17: {  	p1 =	sge.u32 s12, s6  }
0x18: {  	s15 =	sxor.u32 @!p1 $0xFFFFFFFF, s12;
	s16 =	sshll.u32 @!p1 s11, $0xE  }
0x19: {  	s17 =	sshll.u32 @!p1 s10, $0x4;
	s19 =	simm.s32 @!p1 $0x40;
	s20 =	simm.s32 @!p1 $0x80  }
0x1a: {  	s15 =	sshll.u32 @!p1 s15, $0xE;
	s17 =	sand.u32 @!p1 $0x3FF0, s17;
	s18 =	sadd.s32 @!p1 s4, s16  }
0x1b: {  	s16 =	sadd.s32 @!p1 s16, s7;
	s15 =	sand.u32 @!p1 $0x4000, s15;
	s18 =	sadd.s32 @!p1 s17, s18  }
0x1c: {  	[tilespmem:s15], [sflag:$0x1] =	stream.strided.gather @!p1 [hbm4b:s18+s19], $0x2000, s20, s19, $0x38;
	[tilespmem:$0x10100] =	vst v63  }
0x1d: {  	s31 =	sadd.s32 $0xFFFFFFFF, s12;
	s16 =	sadd.s32 @!p1 s17, s16;
	s15 =	sor.u32 @!p1 $0x2000, s15  }
0x1e: {  	[tilespmem:s15], [sflag:$0x1] =	stream.strided.gather @!p1 [hbm4b:s16+s19], $0x2000, s20, s19, $0x38;
	[tilespmem:$0x10100] =	vst v63  }
0x1f: {  	p1 =	sge.u32 s31, s6  }
.Ltmp2:
0x20: {  	_ = 	snop;
	(pc) =	sbr.rel @p1 .LBB1_7-.Ltmp2, $1  }
0x21: {  	_ =	sdelay $0x3  }
0x22: {  	s15 =	simm.s32 $0x1;
	s17 =	sand.u32 $0x1, s12  }
0x23: {  	_ =	swait.ge [sflag:s5], $0x4000;
	s15 =	simm.s32 @!p0 $0x0;
	s17 =	smul.u32 $0x10200, s17  }
0x24: {  	p2 =	por $0x1, $0x1;
	[sflag:s5] =	ssyncset.done $0x0;
	s16 =	smul.u32 $0x10200, s15  }
0x25: {  	s18 =	sshll.u32 s15, $0x10;
	[sflag:s5] =	ssyncadd.s32 $0xFFFFC000;
	s30 =	sshrl.u32 s17, $0x2  }
0x26: {  	s31 =	sshrl.u32 s18, $0x2;
	s18 =	simm.s32 $0x0;
	s16 =	sshrl.u32 s16, $0x2  }
0x27: {  	s15 =	sor.u32 $0x8000, s30;
	s17 =	sadd.s32 $0x20, s31;
	s16 =	sor.u32 $0x8000, s16  }
.LBB1_3:
0x28: {  	s19 =	sshll.u32 s18, $0xD  }
0x29: {  	s19 =	sand.u32 $0x3FFFE000, s19  }
0x2a: {  	s21 =	sadd.s32 s19, s17  }
0x2b: {  	s31 =	smul.u32 $0x8100, s18;
	v3 =	vld [tilespmem:s21+$0x10]  }
0x2c: {  	v1 =	vld [tilespmem:s21+$0xFFFFFFF0]  }
0x2d: {  	s18 =	sshra.s32 s31, $0x2;
	v0 =	vld [tilespmem:s21+$0x0]  }
0x2e: {  	s18 =	sadd.s32 s18, s16;
	v2 =	vld [tilespmem:s21+$0xFFFFFFE0]  }
0x2f: {  	s19 =	sadd.s32 $0x0, s18  }
0x30: {  	p1 =	por p2, p2;
	s20 =	simm.s32 $0x4;
	s21 =	sadd.s32 $0x40, s21;
	[tilespmem:s19+$0x1830 ss:$0x81] =	vst.msk $0xffff, v3  }
.LBB1_4:
0x31: {  	v3 =	vld [tilespmem:s21+$0x10];
	p2 =	sne.s32 s20, $0x1FC;
	[tilespmem:s19+$0x810 ss:$0x81] =	vst.msk $0xffff, v1;
	s22 =	smov.u32 s20;
	s20 =	sadd.s32 $0x4, s20  }
.Ltmp3:
0x32: {  	v1 =	vld [tilespmem:s21+$0xFFFFFFF0];
	[tilespmem:s19+$0x1020 ss:$0x81] =	vst.msk $0xffff, v0;
	(pc) =	sbr.rel @p2 .LBB1_4-.Ltmp3, $4  }
0x33: {  	v0 =	vld [tilespmem:s21+$0x0];
	[tilespmem:s19+$0x0 ss:$0x81] =	vst.msk $0xffff, v2  }
0x34: {  	s19 =	sshra.s32 s22, $0x2;
	v2 =	vld [tilespmem:s21+$0xFFFFFFE0]  }
0x35: {  	s19 =	sadd.s32 s19, s18  }
0x36: {  	s21 =	sadd.s32 $0x40, s21;
	[tilespmem:s19+$0x1830 ss:$0x81] =	vst.msk $0xffff, v3  }
.Ltmp4:
0x37: {  	(pc) =	sbr.rel @p1 .LBB1_3-.Ltmp4, $4  }
0x38: {  	_ = 	snop  }
0x39: {  	[tilespmem:s19+$0x810 ss:$0x81] =	vst.msk $0xffff, v1  }
0x3a: {  	[tilespmem:s19+$0x1020 ss:$0x81] =	vst.msk $0xffff, v0  }
0x3b: {  	s18 =	simm.s32 $0x1;
	p2 =	por $0x0, $0x0;
	[tilespmem:s19+$0x0 ss:$0x81] =	vst.msk $0xffff, v2  }
.Ltmp5:
0x3c: {  	s16 =	sand.u32 $0x1F80, s13;
	s14 =	sshll.u32 s14, $0xD;
	(pc) =	sbr.rel .LBB1_7-.Ltmp5, $4  }
0x3d: {  	s17 =	sshrl.u32 s13, $0x3;
	s31 =	sand.u32 $0x7, s13;
	s14 =	sadd.s32 s3, s14  }
0x3e: {  	s17 =	sand.u32 $0xF, s17;
	s13 =	sshll.u32 s31, $0x12;
	s14 =	sadd.s32 s16, s14  }
0x3f: {  	s13 =	sor.u32 $0x400, s13;
	s14 =	sadd.s32 s17, s14  }
0x40: {  	[hbm4b:s14+s13] =	stream.strided.scatter [tilespmem:s15], [sflag:$0x2], $0x4000, s9, s13, $0x20;
	[tilespmem:$0x10100] =	vst v63  }
.LBB1_8:
0x41: {  	_ =	sfence.sel $0x180000  }
0x42: {  	s2 =	simm.s32 $0x1;
	[bflag:$0x0] =	sbarrier.arrive $0xFFFF  }
0x43: {  	s31 =	simm.s32 $0x2;
	[sflag:s2] =	ssyncpa.u1 $0x1  }
0x44: {  	[sflag:s31] =	ssyncpa.u1 $0x1  }
0x45: {  	p0 =	sne.s32 s0, $0x0;
	_ =	strace $0x9000004A  }
0x46: {  	s0 =	sadd.s32 @!p0 $0x100000, s1;
	[bflag:$0x2] =	sbarrier.arrive $0xFFFF  }
0x47: {  	[sflag:s0] =	ssyncadd.tile.s32 @!p0 $0x1;
	_ =	shalt  }
.Lfunc_end1:
_tile_overlayer_lowered:
.L_overlay_start_2:
0x48: {  	(tag) =	ssettag $0x2  }
0x49: {  	s0 =	rddreg [dreg:$0x0];
	s2 =	stileid.u32  }
0x4a: {  	s1 =	rddreg [dreg:$0x1];
	p0 =	sne.s32 s2, $0x0  }
0x4b: {  	s3 =	rddreg [dreg:$0x2];
	[bflag:$0x3] =	sbarrier.arrive $0xFFFF;
	s2 =	simm.s32 @!p0 $0x1C01  }
0x4c: {  	[timem:s3], [sflag:s2] =	dma.local @!p0 [hbm:s0], s1  }
0x4d: {  	s0 =	simm.s32 @!p0 $0x1  }
0x4e: {  	_ =	swait.ge @!p0 [sflag:s0], s1  }
0x4f: {  	s1 =	ssub.s32 @!p0 $0x0, s1;
	[sflag:s0] =	ssyncset.done @!p0 $0x0  }
0x50: {  	[sflag:s0] =	ssyncadd.s32 @!p0 s1  }
0x51: {  	[bflag:$0x3] =	sbarrier.arrive $0xFFFF  }
0x52: {  	_ =	shalt  }

</sc_bundles>
